<compile_context>
chip_gen: v7x
topology: tpu7x:2x2x1
jax: 0.10.2.dev20260603
libtpu: 0.0.44.dev20260713+nightly
codegen_flags: <defaults>
</compile_context>

<pallas_src>
import jax
import jax.numpy as jnp
from jax import lax
from jax.experimental import pallas as pl
from jax.experimental.pallas import tpu as pltpu
from jax.experimental.pallas import tpu_sc as plsc

N = 10000
E = 320000
D = 128
NCLUST = 1000
NCORES = 2
NSUB = 16
NW = NCORES * NSUB
NPAD = 10240
ACCR = 10112
RPTA = ACCR // NSUB
EPW = E // NW
CH = 200
NEC = EPW // CH
NFV = CH // 16
DEGR = NPAD // D
BR = 400
GRID = N // BR


def _hist_chunk(hist2d, idx_c):
    for k in range(NFV + 1):
        off = k * 16 if k < NFV else CH - 16
        vec = idx_c[pl.ds(off, 16)]
        if k < NFV:
            mask = None
        else:
            mask = lax.iota(jnp.int32, 16) >= (NFV * 16 - (CH - 16))
        cnt, last = plsc.scan_count(vec, mask)
        if mask is not None:
            last = last & mask
        plsc.addupdate_scatter(
            hist2d, [vec >> 7, vec & 127], cnt.astype(jnp.float32), mask=last)


def _agg_body(feat_hbm, src_hbm, dst_hbm, zero_hbm, out_hbm, deg_hbm,
              src1d, idx_c, ring, deg2d, acc, semg, do_hist):
    c = lax.axis_index("c")
    s = lax.axis_index("s")
    wid = c * NSUB + s
    pltpu.sync_copy(zero_hbm.at[pl.ds(0, RPTA)], acc.at[pl.ds(s * RPTA, RPTA)])
    if do_hist:
        pltpu.sync_copy(zero_hbm.at[pl.ds(0, DEGR)], deg2d)
    pltpu.sync_copy(src_hbm.at[wid], src1d)
    plsc.subcore_barrier()

    def body(i, carry):
        gd = pltpu.async_copy(feat_hbm.at[src1d.at[pl.ds(i * CH, CH)]], ring, semg)
        pltpu.sync_copy(dst_hbm.at[pl.ds(wid * EPW + i * CH, CH)], idx_c)
        if do_hist:
            _hist_chunk(deg2d, idx_c)
        gd.wait()
        pltpu.sync_copy(ring, acc.at[idx_c], add=True)
        return carry
    lax.fori_loop(0, NEC, body, 0)

    if do_hist:
        pltpu.sync_copy(deg2d, deg_hbm.at[wid])
    plsc.subcore_barrier()
    pltpu.sync_copy(acc.at[pl.ds(s * RPTA, RPTA)], out_hbm.at[c, pl.ds(s * RPTA, RPTA)])


def _mk_agg(do_hist):
    outs = [jax.ShapeDtypeStruct((NCORES, ACCR, D), jnp.float32)]
    scratch = [
        pltpu.VMEM((EPW,), jnp.int32),
        pltpu.VMEM((CH,), jnp.int32),
        pltpu.VMEM((CH, D), jnp.float32),
        pltpu.VMEM((DEGR, D), jnp.float32),
        pltpu.VMEM_SHARED((ACCR, D), jnp.float32),
        pltpu.SemaphoreType.DMA,
    ]
    if do_hist:
        outs.append(jax.ShapeDtypeStruct((NW, DEGR, D), jnp.float32))

    def body(*refs):
        if do_hist:
            (feat_hbm, src_hbm, dst_hbm, zero_hbm, out_hbm, deg_hbm,
             src1d, idx_c, ring, deg2d, acc, semg) = refs
        else:
            (feat_hbm, src_hbm, dst_hbm, zero_hbm, out_hbm,
             src1d, idx_c, ring, deg2d, acc, semg) = refs
            deg_hbm = None
        _agg_body(feat_hbm, src_hbm, dst_hbm, zero_hbm, out_hbm, deg_hbm,
                  src1d, idx_c, ring, deg2d, acc, semg, do_hist)

    return pl.kernel(
        body,
        out_type=tuple(outs) if do_hist else outs[0],
        mesh=plsc.VectorSubcoreMesh(core_axis_name="c", subcore_axis_name="s"),
        compiler_params=pltpu.CompilerParams(needs_layout_passes=False),
        scratch_types=scratch,
    )


_agg0_call = _mk_agg(True)
_agg1_call = _mk_agg(False)


def _degsum_body(dg_ref, o_ref):
    o_ref[...] = jnp.sum(dg_ref[...], axis=0)


def _conv0_body(p_ref, x_ref, dg_ref, wl_ref, bl_ref, wr_ref, out_ref, h_ref):
    p = p_ref[...]
    deg = jnp.maximum(dg_ref[...], 1.0)
    mean = (p[0] + p[1]) / deg
    out = (jnp.dot(mean, wl_ref[...], preferred_element_type=jnp.float32)
           + bl_ref[...]
           + jnp.dot(x_ref[...], wr_ref[...], preferred_element_type=jnp.float32))
    out_ref[...] = out
    h_ref[...] = jnp.maximum(out, 0.0)


def _conv1_body(p_ref, h_ref, dg_ref, wl_ref, bl_ref, wr_ref, y_ref):
    p = p_ref[...]
    deg = jnp.maximum(dg_ref[...], 1.0)
    mean = (p[0] + p[1]) / deg
    x2 = (jnp.dot(mean, wl_ref[...], preferred_element_type=jnp.float32)
          + bl_ref[...]
          + jnp.dot(h_ref[...], wr_ref[...], preferred_element_type=jnp.float32))
    m = jnp.max(x2, axis=-1, keepdims=True)
    e = jnp.exp(x2 - m)
    lse = jnp.log(jnp.sum(e, axis=-1, keepdims=True))
    y_ref[...] = x2 - m - lse


def _pool_body(clu_ref, h_ref, g_ref, cnt_ref):
    i = pl.program_id(0)

    @pl.when(i == 0)
    def _():
        g_ref[...] = jnp.zeros((NCLUST, D), jnp.float32)
        cnt_ref[...] = jnp.zeros((NCLUST, 1), jnp.float32)

    mt = (lax.broadcasted_iota(jnp.int32, (NCLUST, BR), 0)
          == clu_ref[0]).astype(jnp.float32)
    g_ref[...] += jnp.dot(mt, h_ref[...], preferred_element_type=jnp.float32)
    cnt_ref[...] += jnp.sum(mt, axis=1, keepdims=True)

    @pl.when(i == GRID - 1)
    def _():
        g_ref[...] = g_ref[...] / jnp.maximum(cnt_ref[...], 1.0)


def kernel(x, edge_index, cluster, Wl0, bl0, Wr0, Wl1, bl1, Wr1):
    f32 = jnp.float32
    src2 = edge_index[0].reshape(NW, EPW)
    dst1 = edge_index[1]
    zeros_b = jnp.zeros((RPTA, D), f32)

    p0, degp = _agg0_call(x, src2, dst1, zeros_b)
    degs = pl.pallas_call(
        _degsum_body,
        grid=(1,),
        in_specs=[pl.BlockSpec((NW, DEGR, D), lambda i: (0, 0, 0))],
        out_specs=pl.BlockSpec((DEGR, D), lambda i: (0, 0)),
        out_shape=jax.ShapeDtypeStruct((DEGR, D), f32),
    )(degp)
    degr = degs.reshape(NPAD, 1)

    grid = (GRID,)
    out, h = pl.pallas_call(
        _conv0_body,
        grid=grid,
        in_specs=[
            pl.BlockSpec((NCORES, BR, D), lambda i: (0, i, 0)),
            pl.BlockSpec((BR, D), lambda i: (i, 0)),
            pl.BlockSpec((BR, 1), lambda i: (i, 0)),
            pl.BlockSpec((D, D), lambda i: (0, 0)),
            pl.BlockSpec((1, D), lambda i: (0, 0)),
            pl.BlockSpec((D, D), lambda i: (0, 0)),
        ],
        out_specs=[
            pl.BlockSpec((BR, D), lambda i: (i, 0)),
            pl.BlockSpec((BR, D), lambda i: (i, 0)),
        ],
        out_shape=[
            jax.ShapeDtypeStruct((N, D), f32),
            jax.ShapeDtypeStruct((N, D), f32),
        ],
    )(p0, x, degr, Wl0.T, bl0[None, :], Wr0.T)

    p1 = _agg1_call(h, src2, dst1, zeros_b)

    clu2 = cluster.reshape(GRID, 1, BR)
    g = pl.pallas_call(
        _pool_body,
        grid=grid,
        in_specs=[
            pl.BlockSpec((1, 1, BR), lambda i: (i, 0, 0)),
            pl.BlockSpec((BR, D), lambda i: (i, 0)),
        ],
        out_specs=pl.BlockSpec((NCLUST, D), lambda i: (0, 0)),
        out_shape=jax.ShapeDtypeStruct((NCLUST, D), f32),
        scratch_shapes=[pltpu.VMEM((NCLUST, 1), f32)],
    )(clu2, h)

    y = pl.pallas_call(
        _conv1_body,
        grid=grid,
        in_specs=[
            pl.BlockSpec((NCORES, BR, D), lambda i: (0, i, 0)),
            pl.BlockSpec((BR, D), lambda i: (i, 0)),
            pl.BlockSpec((BR, 1), lambda i: (i, 0)),
            pl.BlockSpec((D, D), lambda i: (0, 0)),
            pl.BlockSpec((1, D), lambda i: (0, 0)),
            pl.BlockSpec((D, D), lambda i: (0, 0)),
        ],
        out_specs=pl.BlockSpec((BR, D), lambda i: (i, 0)),
        out_shape=jax.ShapeDtypeStruct((N, D), f32),
    )(p1, h, degr, Wl1.T, bl1[None, :], Wr1.T)

    return (y, out, g)

# --- scband reference (transcript-rebuilt; emitter-appended) ---
"""Pipeline reference for scband-sage-16209206575326 (READ-ONLY COPY).

The authoritative reference and input builder live on the scoring server;
editing this copy changes nothing except your own understanding.
"""

import jax, jax.numpy as jnp
import numpy as np

N = 10000
E = 320000
D_IN = 128
D_H = 128
D_OUT = 128
N_CLUST = 1000


def setup_inputs(seed: int = 0) -> dict:
    key = jax.random.key(seed)
    ks = jax.random.split(key, 10)
    x = jax.random.normal(ks[0], (N, D_IN), dtype=jnp.float32)
    edge_index = jax.random.randint(ks[1], (2, E), 0, N, dtype=jnp.int32)
    cluster = jnp.sort(jax.random.randint(ks[2], (N,), 0, N_CLUST, dtype=jnp.int32))
    s0 = 1.0 / np.sqrt(D_IN)
    s1 = 1.0 / np.sqrt(D_H)
    # SAGEConv 0: lin_l (applied to mean-aggregated neighbors, with bias) and lin_r (root, no bias)
    Wl0 = jax.random.uniform(ks[3], (D_H, D_IN), dtype=jnp.float32, minval=-s0, maxval=s0)
    bl0 = jnp.zeros((D_H,), dtype=jnp.float32)
    Wr0 = jax.random.uniform(ks[4], (D_H, D_IN), dtype=jnp.float32, minval=-s0, maxval=s0)
    # SAGEConv 1
    Wl1 = jax.random.uniform(ks[5], (D_OUT, D_H), dtype=jnp.float32, minval=-s1, maxval=s1)
    bl1 = jnp.zeros((D_OUT,), dtype=jnp.float32)
    Wr1 = jax.random.uniform(ks[6], (D_OUT, D_H), dtype=jnp.float32, minval=-s1, maxval=s1)
    return {"x": x, "edge_index": edge_index, "cluster": cluster,
            "Wl0": Wl0, "bl0": bl0, "Wr0": Wr0,
            "Wl1": Wl1, "bl1": bl1, "Wr1": Wr1}


def _sage_conv(x, src, dst, Wl, bl, Wr, n_nodes):
    # mean aggregation over incoming edges (PyG SAGEConv default)
    msg = jnp.take(x, src, axis=0)
    agg = jax.ops.segment_sum(msg, dst, num_segments=n_nodes)
    deg = jax.ops.segment_sum(jnp.ones((src.shape[0],), jnp.float32), dst, num_segments=n_nodes)
    mean = agg / jnp.clip(deg, 1.0)[:, None]
    return mean @ Wl.T + bl + x @ Wr.T


def reference(x, edge_index, cluster, Wl0, bl0, Wr0, Wl1, bl1, Wr1):
    src = edge_index[0]
    dst = edge_index[1]
    # conv 0 + relu (dropout is identity in eval)
    out = _sage_conv(x, src, dst, Wl0, bl0, Wr0, N)
    h = jax.nn.relu(out)
    # scatter-mean pooling by cluster id
    g_sum = jax.ops.segment_sum(h, cluster, num_segments=N_CLUST)
    g_cnt = jax.ops.segment_sum(jnp.ones((h.shape[0],), jnp.float32), cluster, num_segments=N_CLUST)
    g = g_sum / jnp.clip(g_cnt, 1.0)[:, None]
    # final conv + log_softmax
    x2 = _sage_conv(h, src, dst, Wl1, bl1, Wr1, N)
    return (jax.nn.log_softmax(x2, axis=-1), out, g)

if __name__ == "__main__":
    import jax
    _d = setup_inputs()
    print(jax.jit(kernel)(*tuple(_d.values())))

</pallas_src>

<mosaic_0001>
#map = affine_map<(d0, d1) -> (0, 0)>
#map1 = affine_map<(d0, d1) -> (0)>
#map2 = affine_map<(d0, d1) -> (0, 0, 0)>
module attributes {stable_mosaic.version = 14 : i64} {
  func.func @body(%arg0: i32, %arg1: i32, %arg2: memref<10000x128xf32, #tpu.memory_space<hbm>>, %arg3: memref<32x10000xi32, #tpu.memory_space<hbm>>, %arg4: memref<320000xi32, #tpu.memory_space<hbm>>, %arg5: memref<632x128xf32, #tpu.memory_space<hbm>>, %arg6: memref<2x10112x128xf32, #tpu.memory_space<hbm>>, %arg7: memref<32x80x128xf32, #tpu.memory_space<hbm>>, %arg8: memref<10000xi32, #tpu.memory_space<vmem>>, %arg9: memref<200xi32, #tpu.memory_space<vmem>>, %arg10: memref<200x128xf32, #tpu.memory_space<vmem>>, %arg11: memref<80x128xf32, #tpu.memory_space<vmem>>, %arg12: memref<10112x128xf32, #tpu.memory_space<vmem_shared>>, %arg13: memref<!tpu.dma_semaphore, #tpu.memory_space<semaphore_mem>>) attributes {dimension_semantics = [#tpu.dimension_semantics<core_parallel>, #tpu.dimension_semantics<subcore_parallel>], iteration_bounds = array<i64: 2, 16>, scalar_prefetch = 0 : i64, scratch_operands = 6 : i64, tpu.core_type = #tpu.core_type<sc_vector_subcore>, window_params = [{transform_indices = #map}, {transform_indices = #map}, {transform_indices = #map1}, {transform_indices = #map}, {transform_indices = #map2}, {transform_indices = #map2}]} {
    %mul3A = arith.constant 16 : i32
    %mul3A_0 = arith.muli %arg0, %mul3A : i32
    %add3A = arith.addi %mul3A_0, %arg1 : i32
    %mul3A_1 = arith.constant 632 : i32
    %mul3A_2 = arith.muli %arg1, %mul3A_1 : i32
    "tpu.region"() ({
      %run_scoped3A = tpu.sem_alloc : memref<!tpu.dma_semaphore, #tpu.memory_space<semaphore_mem>>
      %dma_start3A = arith.constant 0 : i32
      %dma_start3A_13 = tpu.memref_slice %arg12[%mul3A_2, %dma_start3A] : memref<10112x128xf32, #tpu.memory_space<vmem_shared>> -> memref<632x128xf32, #tpu.memory_space<vmem_shared>>
      %dma_start3A_14 = arith.constant 0 : i32
      %dma_start3A_15 = arith.constant 0 : i32
      %dma_start3A_16 = tpu.memref_slice %arg5[%dma_start3A_14, %dma_start3A_15] : memref<632x128xf32, #tpu.memory_space<hbm>> -> memref<632x128xf32, #tpu.memory_space<hbm>>
      tpu.enqueue_dma source(%dma_start3A_16 : memref<632x128xf32, #tpu.memory_space<hbm>>) target(%dma_start3A_13 : memref<632x128xf32, #tpu.memory_space<vmem_shared>>) target_semaphore(%run_scoped3A : memref<!tpu.dma_semaphore, #tpu.memory_space<semaphore_mem>>)
      %dma_wait3A = arith.constant 0 : i32
      %dma_wait3A_17 = tpu.memref_slice %arg12[%mul3A_2, %dma_wait3A] : memref<10112x128xf32, #tpu.memory_space<vmem_shared>> -> memref<632x128xf32, #tpu.memory_space<vmem_shared>>
      %dma_wait3A_18 = arith.constant 0 : i32
      %dma_wait3A_19 = arith.constant 0 : i32
      %dma_wait3A_20 = tpu.memref_slice %arg5[%dma_wait3A_18, %dma_wait3A_19] : memref<632x128xf32, #tpu.memory_space<hbm>> -> memref<632x128xf32, #tpu.memory_space<hbm>>
      tpu.wait_dma2 semaphore(%run_scoped3A : memref<!tpu.dma_semaphore, #tpu.memory_space<semaphore_mem>>) src(%dma_wait3A_20 : memref<632x128xf32, #tpu.memory_space<hbm>>) dst(%dma_wait3A_17 : memref<632x128xf32, #tpu.memory_space<vmem_shared>>)
      tpu.yield
    }) : () -> ()
    "tpu.region"() ({
      %run_scoped3A = tpu.sem_alloc : memref<!tpu.dma_semaphore, #tpu.memory_space<semaphore_mem>>
      %dma_start3A = arith.constant 0 : i32
      %dma_start3A_13 = arith.constant 0 : i32
      %dma_start3A_14 = tpu.memref_slice %arg5[%dma_start3A, %dma_start3A_13] : memref<632x128xf32, #tpu.memory_space<hbm>> -> memref<80x128xf32, #tpu.memory_space<hbm>>
      %dma_start3A_15 = arith.constant 0 : i32
      %dma_start3A_16 = arith.constant 0 : i32
      %dma_start3A_17 = tpu.memref_slice %arg5[%dma_start3A_15, %dma_start3A_16] : memref<632x128xf32, #tpu.memory_space<hbm>> -> memref<80x128xf32, #tpu.memory_space<hbm>>
      tpu.enqueue_dma source(%dma_start3A_17 : memref<80x128xf32, #tpu.memory_space<hbm>>) target(%arg11 : memref<80x128xf32, #tpu.memory_space<vmem>>) target_semaphore(%run_scoped3A : memref<!tpu.dma_semaphore, #tpu.memory_space<semaphore_mem>>)
      %dma_wait3A = arith.constant 0 : i32
      %dma_wait3A_18 = arith.constant 0 : i32
      %dma_wait3A_19 = tpu.memref_slice %arg5[%dma_wait3A, %dma_wait3A_18] : memref<632x128xf32, #tpu.memory_space<hbm>> -> memref<80x128xf32, #tpu.memory_space<hbm>>
      %dma_wait3A_20 = arith.constant 0 : i32
      %dma_wait3A_21 = arith.constant 0 : i32
      %dma_wait3A_22 = tpu.memref_slice %arg5[%dma_wait3A_20, %dma_wait3A_21] : memref<632x128xf32, #tpu.memory_space<hbm>> -> memref<80x128xf32, #tpu.memory_space<hbm>>
      tpu.wait_dma2 semaphore(%run_scoped3A : memref<!tpu.dma_semaphore, #tpu.memory_space<semaphore_mem>>) src(%dma_wait3A_22 : memref<80x128xf32, #tpu.memory_space<hbm>>) dst(%arg11 : memref<80x128xf32, #tpu.memory_space<vmem>>)
      tpu.yield
    }) : () -> ()
    "tpu.region"() ({
      %run_scoped3A = tpu.sem_alloc : memref<!tpu.dma_semaphore, #tpu.memory_space<semaphore_mem>>
      %dma_start3A = arith.constant 0 : i32
      %dma_start3A_13 = tpu.memref_slice %arg3[%add3A, %dma_start3A] : memref<32x10000xi32, #tpu.memory_space<hbm>> -> memref<1x10000xi32, #tpu.memory_space<hbm>>
      %dma_start3A_14 = tpu.memref_squeeze %dma_start3A_13 : memref<1x10000xi32, #tpu.memory_space<hbm>> -> memref<10000xi32, #tpu.memory_space<hbm>>
      %dma_start3A_15 = arith.constant 0 : i32
      %dma_start3A_16 = tpu.memref_slice %arg3[%add3A, %dma_start3A_15] : memref<32x10000xi32, #tpu.memory_space<hbm>> -> memref<1x10000xi32, #tpu.memory_space<hbm>>
      %dma_start3A_17 = tpu.memref_squeeze %dma_start3A_16 : memref<1x10000xi32, #tpu.memory_space<hbm>> -> memref<10000xi32, #tpu.memory_space<hbm>>
      tpu.enqueue_dma source(%dma_start3A_17 : memref<10000xi32, #tpu.memory_space<hbm>>) target(%arg8 : memref<10000xi32, #tpu.memory_space<vmem>>) target_semaphore(%run_scoped3A : memref<!tpu.dma_semaphore, #tpu.memory_space<semaphore_mem>>)
      %dma_wait3A = arith.constant 0 : i32
      %dma_wait3A_18 = tpu.memref_slice %arg3[%add3A, %dma_wait3A] : memref<32x10000xi32, #tpu.memory_space<hbm>> -> memref<1x10000xi32, #tpu.memory_space<hbm>>
      %dma_wait3A_19 = tpu.memref_squeeze %dma_wait3A_18 : memref<1x10000xi32, #tpu.memory_space<hbm>> -> memref<10000xi32, #tpu.memory_space<hbm>>
      %dma_wait3A_20 = arith.constant 0 : i32
      %dma_wait3A_21 = tpu.memref_slice %arg3[%add3A, %dma_wait3A_20] : memref<32x10000xi32, #tpu.memory_space<hbm>> -> memref<1x10000xi32, #tpu.memory_space<hbm>>
      %dma_wait3A_22 = tpu.memref_squeeze %dma_wait3A_21 : memref<1x10000xi32, #tpu.memory_space<hbm>> -> memref<10000xi32, #tpu.memory_space<hbm>>
      tpu.wait_dma2 semaphore(%run_scoped3A : memref<!tpu.dma_semaphore, #tpu.memory_space<semaphore_mem>>) src(%dma_wait3A_22 : memref<10000xi32, #tpu.memory_space<hbm>>) dst(%arg8 : memref<10000xi32, #tpu.memory_space<vmem>>)
      tpu.yield
    }) : () -> ()
    %barrier3A = arith.constant 0 : index
    tpu.barrier barrier_id(%barrier3A)
    %scan3A = arith.constant 0 : i32
    %scan3A_3 = arith.constant 0 : i32
    %scan3A_4 = arith.constant 50 : i32
    %scan3A_5 = arith.addi %scan3A_3, %scan3A_4 : i32
    %scan3A_6 = arith.constant 1 : i32
    scf.for %scan3A_13 = %scan3A_3 to %scan3A_5 step %scan3A_6  : i32 {
      %mul3A_14 = arith.constant 200 : i32
      %mul3A_15 = arith.muli %scan3A_13, %mul3A_14 : i32
      %dma_start3A = tpu.memref_slice %arg8[%mul3A_15] : memref<10000xi32, #tpu.memory_space<vmem>> -> memref<200xi32, #tpu.memory_space<vmem>>
      %dma_start3A_16 = arith.constant 0 : i32
      %dma_start3A_17 = arith.constant 0 : i32
      %dma_start3A_18 = tpu.memref_slice %arg2[%dma_start3A_16, %dma_start3A_17] : memref<10000x128xf32, #tpu.memory_space<hbm>> -> memref<10000x128xf32, #tpu.memory_space<hbm>>
      tpu.enqueue_indirect_dma source(%dma_start3A_18 : memref<10000x128xf32, #tpu.memory_space<hbm>>) target(%arg10 : memref<200x128xf32, #tpu.memory_space<vmem>>) offsets(%dma_start3A : memref<200xi32, #tpu.memory_space<vmem>>) semaphore(%arg13 : memref<!tpu.dma_semaphore, #tpu.memory_space<semaphore_mem>>)
      %mul3A_19 = arith.constant 10000 : i32
      %mul3A_20 = arith.muli %add3A, %mul3A_19 : i32
      %mul3A_21 = arith.constant 200 : i32
      %mul3A_22 = arith.muli %scan3A_13, %mul3A_21 : i32
      %add3A_23 = arith.addi %mul3A_20, %mul3A_22 : i32
      "tpu.region"() ({
        %run_scoped3A = tpu.sem_alloc : memref<!tpu.dma_semaphore, #tpu.memory_space<semaphore_mem>>
        %dma_start3A_191 = tpu.memref_slice %arg4[%add3A_23] : memref<320000xi32, #tpu.memory_space<hbm>> -> memref<200xi32, #tpu.memory_space<hbm>>
        %dma_start3A_192 = tpu.memref_slice %arg4[%add3A_23] : memref<320000xi32, #tpu.memory_space<hbm>> -> memref<200xi32, #tpu.memory_space<hbm>>
        tpu.enqueue_dma source(%dma_start3A_192 : memref<200xi32, #tpu.memory_space<hbm>>) target(%arg9 : memref<200xi32, #tpu.memory_space<vmem>>) target_semaphore(%run_scoped3A : memref<!tpu.dma_semaphore, #tpu.memory_space<semaphore_mem>>)
        %dma_wait3A_193 = tpu.memref_slice %arg4[%add3A_23] : memref<320000xi32, #tpu.memory_space<hbm>> -> memref<200xi32, #tpu.memory_space<hbm>>
        %dma_wait3A_194 = tpu.memref_slice %arg4[%add3A_23] : memref<320000xi32, #tpu.memory_space<hbm>> -> memref<200xi32, #tpu.memory_space<hbm>>
        tpu.wait_dma2 semaphore(%run_scoped3A : memref<!tpu.dma_semaphore, #tpu.memory_space<semaphore_mem>>) src(%dma_wait3A_194 : memref<200xi32, #tpu.memory_space<hbm>>) dst(%arg9 : memref<200xi32, #tpu.memory_space<vmem>>)
        tpu.yield
      }) : () -> ()
      %get3A = arith.constant 0 : index
      %get3A_24 = tpu.vector_load %arg9[%get3A] {strides = array<i32>} : memref<200xi32, #tpu.memory_space<vmem>>, vector<16xi32>,
      %broadcast_in_dim3A = arith.constant true
      %broadcast_in_dim3A_25 = vector.broadcast %broadcast_in_dim3A : i1 to vector<16xi1>
      %unique3A, %unique3A_26 = tpu.scan_count mask(%broadcast_in_dim3A_25 : vector<16xi1>) value(%get3A_24 : vector<16xi32>) : vector<16xi1>, vector<16xi32>
      %shift_right_arithmetic3A = arith.constant 7 : i32
      %shift_right_arithmetic3A_27 = vector.broadcast %shift_right_arithmetic3A : i32 to vector<16xi32>
      %shift_right_arithmetic3A_28 = arith.shrsi %get3A_24, %shift_right_arithmetic3A_27 : vector<16xi32>
      %and3A = arith.constant 127 : i32
      %and3A_29 = vector.broadcast %and3A : i32 to vector<16xi32>
      %and3A_30 = arith.andi %get3A_24, %and3A_29 : vector<16xi32>
      %convert_element_type3A = arith.sitofp %unique3A_26 : vector<16xi32> to vector<16xf32>
      tpu.vector_store_idx %arg11[%shift_right_arithmetic3A_28, %and3A_30], %convert_element_type3A masked %unique3A {add = true} : memref<80x128xf32, #tpu.memory_space<vmem>>[vector<16xi32>, vector<16xi32>], vector<16xf32>, vector<16xi1>
      %get3A_31 = arith.constant 16 : index
      %get3A_32 = tpu.vector_load %arg9[%get3A_31] {strides = array<i32>} : memref<200xi32, #tpu.memory_space<vmem>>, vector<16xi32>,
      %broadcast_in_dim3A_33 = arith.constant true
      %broadcast_in_dim3A_34 = vector.broadcast %broadcast_in_dim3A_33 : i1 to vector<16xi1>
      %unique3A_35, %unique3A_36 = tpu.scan_count mask(%broadcast_in_dim3A_34 : vector<16xi1>) value(%get3A_32 : vector<16xi32>) : vector<16xi1>, vector<16xi32>
      %shift_right_arithmetic3A_37 = arith.constant 7 : i32
      %shift_right_arithmetic3A_38 = vector.broadcast %shift_right_arithmetic3A_37 : i32 to vector<16xi32>
      %shift_right_arithmetic3A_39 = arith.shrsi %get3A_32, %shift_right_arithmetic3A_38 : vector<16xi32>
      %and3A_40 = arith.constant 127 : i32
      %and3A_41 = vector.broadcast %and3A_40 : i32 to vector<16xi32>
      %and3A_42 = arith.andi %get3A_32, %and3A_41 : vector<16xi32>
      %convert_element_type3A_43 = arith.sitofp %unique3A_36 : vector<16xi32> to vector<16xf32>
      tpu.vector_store_idx %arg11[%shift_right_arithmetic3A_39, %and3A_42], %convert_element_type3A_43 masked %unique3A_35 {add = true} : memref<80x128xf32, #tpu.memory_space<vmem>>[vector<16xi32>, vector<16xi32>], vector<16xf32>, vector<16xi1>
      %get3A_44 = arith.constant 32 : index
      %get3A_45 = tpu.vector_load %arg9[%get3A_44] {strides = array<i32>} : memref<200xi32, #tpu.memory_space<vmem>>, vector<16xi32>,
      %broadcast_in_dim3A_46 = arith.constant true
      %broadcast_in_dim3A_47 = vector.broadcast %broadcast_in_dim3A_46 : i1 to vector<16xi1>
      %unique3A_48, %unique3A_49 = tpu.scan_count mask(%broadcast_in_dim3A_47 : vector<16xi1>) value(%get3A_45 : vector<16xi32>) : vector<16xi1>, vector<16xi32>
      %shift_right_arithmetic3A_50 = arith.constant 7 : i32
      %shift_right_arithmetic3A_51 = vector.broadcast %shift_right_arithmetic3A_50 : i32 to vector<16xi32>
      %shift_right_arithmetic3A_52 = arith.shrsi %get3A_45, %shift_right_arithmetic3A_51 : vector<16xi32>
      %and3A_53 = arith.constant 127 : i32
      %and3A_54 = vector.broadcast %and3A_53 : i32 to vector<16xi32>
      %and3A_55 = arith.andi %get3A_45, %and3A_54 : vector<16xi32>
      %convert_element_type3A_56 = arith.sitofp %unique3A_49 : vector<16xi32> to vector<16xf32>
      tpu.vector_store_idx %arg11[%shift_right_arithmetic3A_52, %and3A_55], %convert_element_type3A_56 masked %unique3A_48 {add = true} : memref<80x128xf32, #tpu.memory_space<vmem>>[vector<16xi32>, vector<16xi32>], vector<16xf32>, vector<16xi1>
      %get3A_57 = arith.constant 48 : index
      %get3A_58 = tpu.vector_load %arg9[%get3A_57] {strides = array<i32>} : memref<200xi32, #tpu.memory_space<vmem>>, vector<16xi32>,
      %broadcast_in_dim3A_59 = arith.constant true
      %broadcast_in_dim3A_60 = vector.broadcast %broadcast_in_dim3A_59 : i1 to vector<16xi1>
      %unique3A_61, %unique3A_62 = tpu.scan_count mask(%broadcast_in_dim3A_60 : vector<16xi1>) value(%get3A_58 : vector<16xi32>) : vector<16xi1>, vector<16xi32>
      %shift_right_arithmetic3A_63 = arith.constant 7 : i32
      %shift_right_arithmetic3A_64 = vector.broadcast %shift_right_arithmetic3A_63 : i32 to vector<16xi32>
      %shift_right_arithmetic3A_65 = arith.shrsi %get3A_58, %shift_right_arithmetic3A_64 : vector<16xi32>
      %and3A_66 = arith.constant 127 : i32
      %and3A_67 = vector.broadcast %and3A_66 : i32 to vector<16xi32>
      %and3A_68 = arith.andi %get3A_58, %and3A_67 : vector<16xi32>
      %convert_element_type3A_69 = arith.sitofp %unique3A_62 : vector<16xi32> to vector<16xf32>
      tpu.vector_store_idx %arg11[%shift_right_arithmetic3A_65, %and3A_68], %convert_element_type3A_69 masked %unique3A_61 {add = true} : memref<80x128xf32, #tpu.memory_space<vmem>>[vector<16xi32>, vector<16xi32>], vector<16xf32>, vector<16xi1>
      %get3A_70 = arith.constant 64 : index
      %get3A_71 = tpu.vector_load %arg9[%get3A_70] {strides = array<i32>} : memref<200xi32, #tpu.memory_space<vmem>>, vector<16xi32>,
      %broadcast_in_dim3A_72 = arith.constant true
      %broadcast_in_dim3A_73 = vector.broadcast %broadcast_in_dim3A_72 : i1 to vector<16xi1>
      %unique3A_74, %unique3A_75 = tpu.scan_count mask(%broadcast_in_dim3A_73 : vector<16xi1>) value(%get3A_71 : vector<16xi32>) : vector<16xi1>, vector<16xi32>
      %shift_right_arithmetic3A_76 = arith.constant 7 : i32
      %shift_right_arithmetic3A_77 = vector.broadcast %shift_right_arithmetic3A_76 : i32 to vector<16xi32>
      %shift_right_arithmetic3A_78 = arith.shrsi %get3A_71, %shift_right_arithmetic3A_77 : vector<16xi32>
      %and3A_79 = arith.constant 127 : i32
      %and3A_80 = vector.broadcast %and3A_79 : i32 to vector<16xi32>
      %and3A_81 = arith.andi %get3A_71, %and3A_80 : vector<16xi32>
      %convert_element_type3A_82 = arith.sitofp %unique3A_75 : vector<16xi32> to vector<16xf32>
      tpu.vector_store_idx %arg11[%shift_right_arithmetic3A_78, %and3A_81], %convert_element_type3A_82 masked %unique3A_74 {add = true} : memref<80x128xf32, #tpu.memory_space<vmem>>[vector<16xi32>, vector<16xi32>], vector<16xf32>, vector<16xi1>
      %get3A_83 = arith.constant 80 : index
      %get3A_84 = tpu.vector_load %arg9[%get3A_83] {strides = array<i32>} : memref<200xi32, #tpu.memory_space<vmem>>, vector<16xi32>,
      %broadcast_in_dim3A_85 = arith.constant true
      %broadcast_in_dim3A_86 = vector.broadcast %broadcast_in_dim3A_85 : i1 to vector<16xi1>
      %unique3A_87, %unique3A_88 = tpu.scan_count mask(%broadcast_in_dim3A_86 : vector<16xi1>) value(%get3A_84 : vector<16xi32>) : vector<16xi1>, vector<16xi32>
      %shift_right_arithmetic3A_89 = arith.constant 7 : i32
      %shift_right_arithmetic3A_90 = vector.broadcast %shift_right_arithmetic3A_89 : i32 to vector<16xi32>
      %shift_right_arithmetic3A_91 = arith.shrsi %get3A_84, %shift_right_arithmetic3A_90 : vector<16xi32>
      %and3A_92 = arith.constant 127 : i32
      %and3A_93 = vector.broadcast %and3A_92 : i32 to vector<16xi32>
      %and3A_94 = arith.andi %get3A_84, %and3A_93 : vector<16xi32>
      %convert_element_type3A_95 = arith.sitofp %unique3A_88 : vector<16xi32> to vector<16xf32>
      tpu.vector_store_idx %arg11[%shift_right_arithmetic3A_91, %and3A_94], %convert_element_type3A_95 masked %unique3A_87 {add = true} : memref<80x128xf32, #tpu.memory_space<vmem>>[vector<16xi32>, vector<16xi32>], vector<16xf32>, vector<16xi1>
      %get3A_96 = arith.constant 96 : index
      %get3A_97 = tpu.vector_load %arg9[%get3A_96] {strides = array<i32>} : memref<200xi32, #tpu.memory_space<vmem>>, vector<16xi32>,
      %broadcast_in_dim3A_98 = arith.constant true
      %broadcast_in_dim3A_99 = vector.broadcast %broadcast_in_dim3A_98 : i1 to vector<16xi1>
      %unique3A_100, %unique3A_101 = tpu.scan_count mask(%broadcast_in_dim3A_99 : vector<16xi1>) value(%get3A_97 : vector<16xi32>) : vector<16xi1>, vector<16xi32>
      %shift_right_arithmetic3A_102 = arith.constant 7 : i32
      %shift_right_arithmetic3A_103 = vector.broadcast %shift_right_arithmetic3A_102 : i32 to vector<16xi32>
      %shift_right_arithmetic3A_104 = arith.shrsi %get3A_97, %shift_right_arithmetic3A_103 : vector<16xi32>
      %and3A_105 = arith.constant 127 : i32
      %and3A_106 = vector.broadcast %and3A_105 : i32 to vector<16xi32>
      %and3A_107 = arith.andi %get3A_97, %and3A_106 : vector<16xi32>
      %convert_element_type3A_108 = arith.sitofp %unique3A_101 : vector<16xi32> to vector<16xf32>
      tpu.vector_store_idx %arg11[%shift_right_arithmetic3A_104, %and3A_107], %convert_element_type3A_108 masked %unique3A_100 {add = true} : memref<80x128xf32, #tpu.memory_space<vmem>>[vector<16xi32>, vector<16xi32>], vector<16xf32>, vector<16xi1>
      %get3A_109 = arith.constant 112 : index
      %get3A_110 = tpu.vector_load %arg9[%get3A_109] {strides = array<i32>} : memref<200xi32, #tpu.memory_space<vmem>>, vector<16xi32>,
      %broadcast_in_dim3A_111 = arith.constant true
      %broadcast_in_dim3A_112 = vector.broadcast %broadcast_in_dim3A_111 : i1 to vector<16xi1>
      %unique3A_113, %unique3A_114 = tpu.scan_count mask(%broadcast_in_dim3A_112 : vector<16xi1>) value(%get3A_110 : vector<16xi32>) : vector<16xi1>, vector<16xi32>
      %shift_right_arithmetic3A_115 = arith.constant 7 : i32
      %shift_right_arithmetic3A_116 = vector.broadcast %shift_right_arithmetic3A_115 : i32 to vector<16xi32>
      %shift_right_arithmetic3A_117 = arith.shrsi %get3A_110, %shift_right_arithmetic3A_116 : vector<16xi32>
      %and3A_118 = arith.constant 127 : i32
      %and3A_119 = vector.broadcast %and3A_118 : i32 to vector<16xi32>
      %and3A_120 = arith.andi %get3A_110, %and3A_119 : vector<16xi32>
      %convert_element_type3A_121 = arith.sitofp %unique3A_114 : vector<16xi32> to vector<16xf32>
      tpu.vector_store_idx %arg11[%shift_right_arithmetic3A_117, %and3A_120], %convert_element_type3A_121 masked %unique3A_113 {add = true} : memref<80x128xf32, #tpu.memory_space<vmem>>[vector<16xi32>, vector<16xi32>], vector<16xf32>, vector<16xi1>
      %get3A_122 = arith.constant 128 : index
      %get3A_123 = tpu.vector_load %arg9[%get3A_122] {strides = array<i32>} : memref<200xi32, #tpu.memory_space<vmem>>, vector<16xi32>,
      %broadcast_in_dim3A_124 = arith.constant true
      %broadcast_in_dim3A_125 = vector.broadcast %broadcast_in_dim3A_124 : i1 to vector<16xi1>
      %unique3A_126, %unique3A_127 = tpu.scan_count mask(%broadcast_in_dim3A_125 : vector<16xi1>) value(%get3A_123 : vector<16xi32>) : vector<16xi1>, vector<16xi32>
      %shift_right_arithmetic3A_128 = arith.constant 7 : i32
      %shift_right_arithmetic3A_129 = vector.broadcast %shift_right_arithmetic3A_128 : i32 to vector<16xi32>
      %shift_right_arithmetic3A_130 = arith.shrsi %get3A_123, %shift_right_arithmetic3A_129 : vector<16xi32>
      %and3A_131 = arith.constant 127 : i32
      %and3A_132 = vector.broadcast %and3A_131 : i32 to vector<16xi32>
      %and3A_133 = arith.andi %get3A_123, %and3A_132 : vector<16xi32>
      %convert_element_type3A_134 = arith.sitofp %unique3A_127 : vector<16xi32> to vector<16xf32>
      tpu.vector_store_idx %arg11[%shift_right_arithmetic3A_130, %and3A_133], %convert_element_type3A_134 masked %unique3A_126 {add = true} : memref<80x128xf32, #tpu.memory_space<vmem>>[vector<16xi32>, vector<16xi32>], vector<16xf32>, vector<16xi1>
      %get3A_135 = arith.constant 144 : index
      %get3A_136 = tpu.vector_load %arg9[%get3A_135] {strides = array<i32>} : memref<200xi32, #tpu.memory_space<vmem>>, vector<16xi32>,
      %broadcast_in_dim3A_137 = arith.constant true
      %broadcast_in_dim3A_138 = vector.broadcast %broadcast_in_dim3A_137 : i1 to vector<16xi1>
      %unique3A_139, %unique3A_140 = tpu.scan_count mask(%broadcast_in_dim3A_138 : vector<16xi1>) value(%get3A_136 : vector<16xi32>) : vector<16xi1>, vector<16xi32>
      %shift_right_arithmetic3A_141 = arith.constant 7 : i32
      %shift_right_arithmetic3A_142 = vector.broadcast %shift_right_arithmetic3A_141 : i32 to vector<16xi32>
      %shift_right_arithmetic3A_143 = arith.shrsi %get3A_136, %shift_right_arithmetic3A_142 : vector<16xi32>
      %and3A_144 = arith.constant 127 : i32
      %and3A_145 = vector.broadcast %and3A_144 : i32 to vector<16xi32>
      %and3A_146 = arith.andi %get3A_136, %and3A_145 : vector<16xi32>
      %convert_element_type3A_147 = arith.sitofp %unique3A_140 : vector<16xi32> to vector<16xf32>
      tpu.vector_store_idx %arg11[%shift_right_arithmetic3A_143, %and3A_146], %convert_element_type3A_147 masked %unique3A_139 {add = true} : memref<80x128xf32, #tpu.memory_space<vmem>>[vector<16xi32>, vector<16xi32>], vector<16xf32>, vector<16xi1>
      %get3A_148 = arith.constant 160 : index
      %get3A_149 = tpu.vector_load %arg9[%get3A_148] {strides = array<i32>} : memref<200xi32, #tpu.memory_space<vmem>>, vector<16xi32>,
      %broadcast_in_dim3A_150 = arith.constant true
      %broadcast_in_dim3A_151 = vector.broadcast %broadcast_in_dim3A_150 : i1 to vector<16xi1>
      %unique3A_152, %unique3A_153 = tpu.scan_count mask(%broadcast_in_dim3A_151 : vector<16xi1>) value(%get3A_149 : vector<16xi32>) : vector<16xi1>, vector<16xi32>
      %shift_right_arithmetic3A_154 = arith.constant 7 : i32
      %shift_right_arithmetic3A_155 = vector.broadcast %shift_right_arithmetic3A_154 : i32 to vector<16xi32>
      %shift_right_arithmetic3A_156 = arith.shrsi %get3A_149, %shift_right_arithmetic3A_155 : vector<16xi32>
      %and3A_157 = arith.constant 127 : i32
      %and3A_158 = vector.broadcast %and3A_157 : i32 to vector<16xi32>
      %and3A_159 = arith.andi %get3A_149, %and3A_158 : vector<16xi32>
      %convert_element_type3A_160 = arith.sitofp %unique3A_153 : vector<16xi32> to vector<16xf32>
      tpu.vector_store_idx %arg11[%shift_right_arithmetic3A_156, %and3A_159], %convert_element_type3A_160 masked %unique3A_152 {add = true} : memref<80x128xf32, #tpu.memory_space<vmem>>[vector<16xi32>, vector<16xi32>], vector<16xf32>, vector<16xi1>
      %get3A_161 = arith.constant 176 : index
      %get3A_162 = tpu.vector_load %arg9[%get3A_161] {strides = array<i32>} : memref<200xi32, #tpu.memory_space<vmem>>, vector<16xi32>,
      %broadcast_in_dim3A_163 = arith.constant true
      %broadcast_in_dim3A_164 = vector.broadcast %broadcast_in_dim3A_163 : i1 to vector<16xi1>
      %unique3A_165, %unique3A_166 = tpu.scan_count mask(%broadcast_in_dim3A_164 : vector<16xi1>) value(%get3A_162 : vector<16xi32>) : vector<16xi1>, vector<16xi32>
      %shift_right_arithmetic3A_167 = arith.constant 7 : i32
      %shift_right_arithmetic3A_168 = vector.broadcast %shift_right_arithmetic3A_167 : i32 to vector<16xi32>
      %shift_right_arithmetic3A_169 = arith.shrsi %get3A_162, %shift_right_arithmetic3A_168 : vector<16xi32>
      %and3A_170 = arith.constant 127 : i32
      %and3A_171 = vector.broadcast %and3A_170 : i32 to vector<16xi32>
      %and3A_172 = arith.andi %get3A_162, %and3A_171 : vector<16xi32>
      %convert_element_type3A_173 = arith.sitofp %unique3A_166 : vector<16xi32> to vector<16xf32>
      tpu.vector_store_idx %arg11[%shift_right_arithmetic3A_169, %and3A_172], %convert_element_type3A_173 masked %unique3A_165 {add = true} : memref<80x128xf32, #tpu.memory_space<vmem>>[vector<16xi32>, vector<16xi32>], vector<16xf32>, vector<16xi1>
      %get3A_174 = arith.constant 184 : index
      %get3A_175 = tpu.vector_load %arg9[%get3A_174] {strides = array<i32>} : memref<200xi32, #tpu.memory_space<vmem>>, vector<16xi32>,
      %iota3A = tpu.iota {dimensions = array<i32: 0>} : vector<16xi32>
      %ge3A = arith.constant 8 : i32
      %ge3A_176 = vector.broadcast %ge3A : i32 to vector<16xi32>
      %ge3A_177 = arith.cmpi sge, %iota3A, %ge3A_176 : vector<16xi32>
      %unique3A_178, %unique3A_179 = tpu.scan_count mask(%ge3A_177 : vector<16xi1>) value(%get3A_175 : vector<16xi32>) : vector<16xi1>, vector<16xi32>
      %and3A_180 = arith.andi %unique3A_178, %ge3A_177 : vector<16xi1>
      %shift_right_arithmetic3A_181 = arith.constant 7 : i32
      %shift_right_arithmetic3A_182 = vector.broadcast %shift_right_arithmetic3A_181 : i32 to vector<16xi32>
      %shift_right_arithmetic3A_183 = arith.shrsi %get3A_175, %shift_right_arithmetic3A_182 : vector<16xi32>
      %and3A_184 = arith.constant 127 : i32
      %and3A_185 = vector.broadcast %and3A_184 : i32 to vector<16xi32>
      %and3A_186 = arith.andi %get3A_175, %and3A_185 : vector<16xi32>
      %convert_element_type3A_187 = arith.sitofp %unique3A_179 : vector<16xi32> to vector<16xf32>
      tpu.vector_store_idx %arg11[%shift_right_arithmetic3A_183, %and3A_186], %convert_element_type3A_187 masked %and3A_180 {add = true} : memref<80x128xf32, #tpu.memory_space<vmem>>[vector<16xi32>, vector<16xi32>], vector<16xf32>, vector<16xi1>
      %dma_wait3A = tpu.memref_slice %arg8[%mul3A_15] : memref<10000xi32, #tpu.memory_space<vmem>> -> memref<200xi32, #tpu.memory_space<vmem>>
      %dma_wait3A_188 = arith.constant 0 : i32
      %dma_wait3A_189 = arith.constant 0 : i32
      %dma_wait3A_190 = tpu.memref_slice %arg2[%dma_wait3A_188, %dma_wait3A_189] : memref<10000x128xf32, #tpu.memory_space<hbm>> -> memref<10000x128xf32, #tpu.memory_space<hbm>>
      tpu.wait_indirect_dma semaphore(%arg13 : memref<!tpu.dma_semaphore, #tpu.memory_space<semaphore_mem>>) src(%dma_wait3A_190 : memref<10000x128xf32, #tpu.memory_space<hbm>>) dst(%arg10 : memref<200x128xf32, #tpu.memory_space<vmem>>)
      "tpu.region"() ({
        %run_scoped3A = tpu.sem_alloc : memref<!tpu.dma_semaphore, #tpu.memory_space<semaphore_mem>>
        %dma_start3A_191 = arith.constant 0 : i32
        %dma_start3A_192 = arith.constant 0 : i32
        %dma_start3A_193 = tpu.memref_slice %arg12[%dma_start3A_191, %dma_start3A_192] : memref<10112x128xf32, #tpu.memory_space<vmem_shared>> -> memref<10112x128xf32, #tpu.memory_space<vmem_shared>>
        tpu.enqueue_indirect_dma source(%arg10 : memref<200x128xf32, #tpu.memory_space<vmem>>) target(%dma_start3A_193 : memref<10112x128xf32, #tpu.memory_space<vmem_shared>>) offsets(%arg9 : memref<200xi32, #tpu.memory_space<vmem>>) semaphore(%run_scoped3A : memref<!tpu.dma_semaphore, #tpu.memory_space<semaphore_mem>>) {add = true}
        %dma_wait3A_194 = arith.constant 0 : i32
        %dma_wait3A_195 = arith.constant 0 : i32
        %dma_wait3A_196 = tpu.memref_slice %arg12[%dma_wait3A_194, %dma_wait3A_195] : memref<10112x128xf32, #tpu.memory_space<vmem_shared>> -> memref<10112x128xf32, #tpu.memory_space<vmem_shared>>
        tpu.wait_indirect_dma semaphore(%run_scoped3A : memref<!tpu.dma_semaphore, #tpu.memory_space<semaphore_mem>>) src(%arg10 : memref<200x128xf32, #tpu.memory_space<vmem>>) dst(%dma_wait3A_196 : memref<10112x128xf32, #tpu.memory_space<vmem_shared>>)
        tpu.yield
      }) : () -> ()
    }
    %scan3A_7 = arith.constant 50 : i32
    "tpu.region"() ({
      %run_scoped3A = tpu.sem_alloc : memref<!tpu.dma_semaphore, #tpu.memory_space<semaphore_mem>>
      %dma_start3A = arith.constant 0 : i32
      %dma_start3A_13 = arith.constant 0 : i32
      %dma_start3A_14 = tpu.memref_slice %arg7[%add3A, %dma_start3A, %dma_start3A_13] : memref<32x80x128xf32, #tpu.memory_space<hbm>> -> memref<1x80x128xf32, #tpu.memory_space<hbm>>
      %dma_start3A_15 = tpu.memref_squeeze %dma_start3A_14 : memref<1x80x128xf32, #tpu.memory_space<hbm>> -> memref<80x128xf32, #tpu.memory_space<hbm>>
      %dma_start3A_16 = arith.constant 0 : i32
      %dma_start3A_17 = arith.constant 0 : i32
      %dma_start3A_18 = tpu.memref_slice %arg7[%add3A, %dma_start3A_16, %dma_start3A_17] : memref<32x80x128xf32, #tpu.memory_space<hbm>> -> memref<1x80x128xf32, #tpu.memory_space<hbm>>
      %dma_start3A_19 = tpu.memref_squeeze %dma_start3A_18 : memref<1x80x128xf32, #tpu.memory_space<hbm>> -> memref<80x128xf32, #tpu.memory_space<hbm>>
      tpu.enqueue_dma source(%arg11 : memref<80x128xf32, #tpu.memory_space<vmem>>) target(%dma_start3A_19 : memref<80x128xf32, #tpu.memory_space<hbm>>) target_semaphore(%run_scoped3A : memref<!tpu.dma_semaphore, #tpu.memory_space<semaphore_mem>>)
      %dma_wait3A = arith.constant 0 : i32
      %dma_wait3A_20 = arith.constant 0 : i32
      %dma_wait3A_21 = tpu.memref_slice %arg7[%add3A, %dma_wait3A, %dma_wait3A_20] : memref<32x80x128xf32, #tpu.memory_space<hbm>> -> memref<1x80x128xf32, #tpu.memory_space<hbm>>
      %dma_wait3A_22 = tpu.memref_squeeze %dma_wait3A_21 : memref<1x80x128xf32, #tpu.memory_space<hbm>> -> memref<80x128xf32, #tpu.memory_space<hbm>>
      %dma_wait3A_23 = arith.constant 0 : i32
      %dma_wait3A_24 = arith.constant 0 : i32
      %dma_wait3A_25 = tpu.memref_slice %arg7[%add3A, %dma_wait3A_23, %dma_wait3A_24] : memref<32x80x128xf32, #tpu.memory_space<hbm>> -> memref<1x80x128xf32, #tpu.memory_space<hbm>>
      %dma_wait3A_26 = tpu.memref_squeeze %dma_wait3A_25 : memref<1x80x128xf32, #tpu.memory_space<hbm>> -> memref<80x128xf32, #tpu.memory_space<hbm>>
      tpu.wait_dma2 semaphore(%run_scoped3A : memref<!tpu.dma_semaphore, #tpu.memory_space<semaphore_mem>>) src(%arg11 : memref<80x128xf32, #tpu.memory_space<vmem>>) dst(%dma_wait3A_26 : memref<80x128xf32, #tpu.memory_space<hbm>>)
      tpu.yield
    }) : () -> ()
    %barrier3A_8 = arith.constant 0 : index
    tpu.barrier barrier_id(%barrier3A_8)
    %mul3A_9 = arith.constant 632 : i32
    %mul3A_10 = arith.muli %arg1, %mul3A_9 : i32
    %mul3A_11 = arith.constant 632 : i32
    %mul3A_12 = arith.muli %arg1, %mul3A_11 : i32
    "tpu.region"() ({
      %run_scoped3A = tpu.sem_alloc : memref<!tpu.dma_semaphore, #tpu.memory_space<semaphore_mem>>
      %dma_start3A = arith.constant 0 : i32
      %dma_start3A_13 = tpu.memref_slice %arg6[%arg0, %mul3A_12, %dma_start3A] : memref<2x10112x128xf32, #tpu.memory_space<hbm>> -> memref<1x632x128xf32, #tpu.memory_space<hbm>>
      %dma_start3A_14 = tpu.memref_squeeze %dma_start3A_13 : memref<1x632x128xf32, #tpu.memory_space<hbm>> -> memref<632x128xf32, #tpu.memory_space<hbm>>
      %dma_start3A_15 = arith.constant 0 : i32
      %dma_start3A_16 = tpu.memref_slice %arg12[%mul3A_10, %dma_start3A_15] : memref<10112x128xf32, #tpu.memory_space<vmem_shared>> -> memref<632x128xf32, #tpu.memory_space<vmem_shared>>
      tpu.enqueue_dma source(%dma_start3A_16 : memref<632x128xf32, #tpu.memory_space<vmem_shared>>) target(%dma_start3A_14 : memref<632x128xf32, #tpu.memory_space<hbm>>) target_semaphore(%run_scoped3A : memref<!tpu.dma_semaphore, #tpu.memory_space<semaphore_mem>>)
      %dma_wait3A = arith.constant 0 : i32
      %dma_wait3A_17 = tpu.memref_slice %arg6[%arg0, %mul3A_12, %dma_wait3A] : memref<2x10112x128xf32, #tpu.memory_space<hbm>> -> memref<1x632x128xf32, #tpu.memory_space<hbm>>
      %dma_wait3A_18 = tpu.memref_squeeze %dma_wait3A_17 : memref<1x632x128xf32, #tpu.memory_space<hbm>> -> memref<632x128xf32, #tpu.memory_space<hbm>>
      %dma_wait3A_19 = arith.constant 0 : i32
      %dma_wait3A_20 = tpu.memref_slice %arg12[%mul3A_10, %dma_wait3A_19] : memref<10112x128xf32, #tpu.memory_space<vmem_shared>> -> memref<632x128xf32, #tpu.memory_space<vmem_shared>>
      tpu.wait_dma2 semaphore(%run_scoped3A : memref<!tpu.dma_semaphore, #tpu.memory_space<semaphore_mem>>) src(%dma_wait3A_20 : memref<632x128xf32, #tpu.memory_space<vmem_shared>>) dst(%dma_wait3A_18 : memref<632x128xf32, #tpu.memory_space<hbm>>)
      tpu.yield
    }) : () -> ()
    return
  }
}

#map = affine_map<(d0, d1) -> (0, 0)>
#map1 = affine_map<(d0, d1) -> (0)>
#map2 = affine_map<(d0, d1) -> (0, 0, 0)>
module attributes {stable_mosaic.version = 14 : i64} {
  func.func @body(%arg0: i32, %arg1: i32, %arg2: memref<10000x128xf32, #tpu.memory_space<hbm>>, %arg3: memref<32x10000xi32, #tpu.memory_space<hbm>>, %arg4: memref<320000xi32, #tpu.memory_space<hbm>>, %arg5: memref<632x128xf32, #tpu.memory_space<hbm>>, %arg6: memref<2x10112x128xf32, #tpu.memory_space<hbm>>, %arg7: memref<10000xi32, #tpu.memory_space<vmem>>, %arg8: memref<200xi32, #tpu.memory_space<vmem>>, %arg9: memref<200x128xf32, #tpu.memory_space<vmem>>, %arg10: memref<80x128xf32, #tpu.memory_space<vmem>>, %arg11: memref<10112x128xf32, #tpu.memory_space<vmem_shared>>, %arg12: memref<!tpu.dma_semaphore, #tpu.memory_space<semaphore_mem>>) attributes {dimension_semantics = [#tpu.dimension_semantics<core_parallel>, #tpu.dimension_semantics<subcore_parallel>], iteration_bounds = array<i64: 2, 16>, scalar_prefetch = 0 : i64, scratch_operands = 6 : i64, tpu.core_type = #tpu.core_type<sc_vector_subcore>, window_params = [{transform_indices = #map}, {transform_indices = #map}, {transform_indices = #map1}, {transform_indices = #map}, {transform_indices = #map2}]} {
    %mul3A = arith.constant 16 : i32
    %mul3A_0 = arith.muli %arg0, %mul3A : i32
    %add3A = arith.addi %mul3A_0, %arg1 : i32
    %mul3A_1 = arith.constant 632 : i32
    %mul3A_2 = arith.muli %arg1, %mul3A_1 : i32
    "tpu.region"() ({
      %run_scoped3A = tpu.sem_alloc : memref<!tpu.dma_semaphore, #tpu.memory_space<semaphore_mem>>
      %dma_start3A = arith.constant 0 : i32
      %dma_start3A_13 = tpu.memref_slice %arg11[%mul3A_2, %dma_start3A] : memref<10112x128xf32, #tpu.memory_space<vmem_shared>> -> memref<632x128xf32, #tpu.memory_space<vmem_shared>>
      %dma_start3A_14 = arith.constant 0 : i32
      %dma_start3A_15 = arith.constant 0 : i32
      %dma_start3A_16 = tpu.memref_slice %arg5[%dma_start3A_14, %dma_start3A_15] : memref<632x128xf32, #tpu.memory_space<hbm>> -> memref<632x128xf32, #tpu.memory_space<hbm>>
      tpu.enqueue_dma source(%dma_start3A_16 : memref<632x128xf32, #tpu.memory_space<hbm>>) target(%dma_start3A_13 : memref<632x128xf32, #tpu.memory_space<vmem_shared>>) target_semaphore(%run_scoped3A : memref<!tpu.dma_semaphore, #tpu.memory_space<semaphore_mem>>)
      %dma_wait3A = arith.constant 0 : i32
      %dma_wait3A_17 = tpu.memref_slice %arg11[%mul3A_2, %dma_wait3A] : memref<10112x128xf32, #tpu.memory_space<vmem_shared>> -> memref<632x128xf32, #tpu.memory_space<vmem_shared>>
      %dma_wait3A_18 = arith.constant 0 : i32
      %dma_wait3A_19 = arith.constant 0 : i32
      %dma_wait3A_20 = tpu.memref_slice %arg5[%dma_wait3A_18, %dma_wait3A_19] : memref<632x128xf32, #tpu.memory_space<hbm>> -> memref<632x128xf32, #tpu.memory_space<hbm>>
      tpu.wait_dma2 semaphore(%run_scoped3A : memref<!tpu.dma_semaphore, #tpu.memory_space<semaphore_mem>>) src(%dma_wait3A_20 : memref<632x128xf32, #tpu.memory_space<hbm>>) dst(%dma_wait3A_17 : memref<632x128xf32, #tpu.memory_space<vmem_shared>>)
      tpu.yield
    }) : () -> ()
    "tpu.region"() ({
      %run_scoped3A = tpu.sem_alloc : memref<!tpu.dma_semaphore, #tpu.memory_space<semaphore_mem>>
      %dma_start3A = arith.constant 0 : i32
      %dma_start3A_13 = tpu.memref_slice %arg3[%add3A, %dma_start3A] : memref<32x10000xi32, #tpu.memory_space<hbm>> -> memref<1x10000xi32, #tpu.memory_space<hbm>>
      %dma_start3A_14 = tpu.memref_squeeze %dma_start3A_13 : memref<1x10000xi32, #tpu.memory_space<hbm>> -> memref<10000xi32, #tpu.memory_space<hbm>>
      %dma_start3A_15 = arith.constant 0 : i32
      %dma_start3A_16 = tpu.memref_slice %arg3[%add3A, %dma_start3A_15] : memref<32x10000xi32, #tpu.memory_space<hbm>> -> memref<1x10000xi32, #tpu.memory_space<hbm>>
      %dma_start3A_17 = tpu.memref_squeeze %dma_start3A_16 : memref<1x10000xi32, #tpu.memory_space<hbm>> -> memref<10000xi32, #tpu.memory_space<hbm>>
      tpu.enqueue_dma source(%dma_start3A_17 : memref<10000xi32, #tpu.memory_space<hbm>>) target(%arg7 : memref<10000xi32, #tpu.memory_space<vmem>>) target_semaphore(%run_scoped3A : memref<!tpu.dma_semaphore, #tpu.memory_space<semaphore_mem>>)
      %dma_wait3A = arith.constant 0 : i32
      %dma_wait3A_18 = tpu.memref_slice %arg3[%add3A, %dma_wait3A] : memref<32x10000xi32, #tpu.memory_space<hbm>> -> memref<1x10000xi32, #tpu.memory_space<hbm>>
      %dma_wait3A_19 = tpu.memref_squeeze %dma_wait3A_18 : memref<1x10000xi32, #tpu.memory_space<hbm>> -> memref<10000xi32, #tpu.memory_space<hbm>>
      %dma_wait3A_20 = arith.constant 0 : i32
      %dma_wait3A_21 = tpu.memref_slice %arg3[%add3A, %dma_wait3A_20] : memref<32x10000xi32, #tpu.memory_space<hbm>> -> memref<1x10000xi32, #tpu.memory_space<hbm>>
      %dma_wait3A_22 = tpu.memref_squeeze %dma_wait3A_21 : memref<1x10000xi32, #tpu.memory_space<hbm>> -> memref<10000xi32, #tpu.memory_space<hbm>>
      tpu.wait_dma2 semaphore(%run_scoped3A : memref<!tpu.dma_semaphore, #tpu.memory_space<semaphore_mem>>) src(%dma_wait3A_22 : memref<10000xi32, #tpu.memory_space<hbm>>) dst(%arg7 : memref<10000xi32, #tpu.memory_space<vmem>>)
      tpu.yield
    }) : () -> ()
    %barrier3A = arith.constant 0 : index
    tpu.barrier barrier_id(%barrier3A)
    %scan3A = arith.constant 0 : i32
    %scan3A_3 = arith.constant 0 : i32
    %scan3A_4 = arith.constant 50 : i32
    %scan3A_5 = arith.addi %scan3A_3, %scan3A_4 : i32
    %scan3A_6 = arith.constant 1 : i32
    scf.for %scan3A_13 = %scan3A_3 to %scan3A_5 step %scan3A_6  : i32 {
      %mul3A_14 = arith.constant 200 : i32
      %mul3A_15 = arith.muli %scan3A_13, %mul3A_14 : i32
      %dma_start3A = tpu.memref_slice %arg7[%mul3A_15] : memref<10000xi32, #tpu.memory_space<vmem>> -> memref<200xi32, #tpu.memory_space<vmem>>
      %dma_start3A_16 = arith.constant 0 : i32
      %dma_start3A_17 = arith.constant 0 : i32
      %dma_start3A_18 = tpu.memref_slice %arg2[%dma_start3A_16, %dma_start3A_17] : memref<10000x128xf32, #tpu.memory_space<hbm>> -> memref<10000x128xf32, #tpu.memory_space<hbm>>
      tpu.enqueue_indirect_dma source(%dma_start3A_18 : memref<10000x128xf32, #tpu.memory_space<hbm>>) target(%arg9 : memref<200x128xf32, #tpu.memory_space<vmem>>) offsets(%dma_start3A : memref<200xi32, #tpu.memory_space<vmem>>) semaphore(%arg12 : memref<!tpu.dma_semaphore, #tpu.memory_space<semaphore_mem>>)
      %mul3A_19 = arith.constant 10000 : i32
      %mul3A_20 = arith.muli %add3A, %mul3A_19 : i32
      %mul3A_21 = arith.constant 200 : i32
      %mul3A_22 = arith.muli %scan3A_13, %mul3A_21 : i32
      %add3A_23 = arith.addi %mul3A_20, %mul3A_22 : i32
      "tpu.region"() ({
        %run_scoped3A = tpu.sem_alloc : memref<!tpu.dma_semaphore, #tpu.memory_space<semaphore_mem>>
        %dma_start3A_27 = tpu.memref_slice %arg4[%add3A_23] : memref<320000xi32, #tpu.memory_space<hbm>> -> memref<200xi32, #tpu.memory_space<hbm>>
        %dma_start3A_28 = tpu.memref_slice %arg4[%add3A_23] : memref<320000xi32, #tpu.memory_space<hbm>> -> memref<200xi32, #tpu.memory_space<hbm>>
        tpu.enqueue_dma source(%dma_start3A_28 : memref<200xi32, #tpu.memory_space<hbm>>) target(%arg8 : memref<200xi32, #tpu.memory_space<vmem>>) target_semaphore(%run_scoped3A : memref<!tpu.dma_semaphore, #tpu.memory_space<semaphore_mem>>)
        %dma_wait3A_29 = tpu.memref_slice %arg4[%add3A_23] : memref<320000xi32, #tpu.memory_space<hbm>> -> memref<200xi32, #tpu.memory_space<hbm>>
        %dma_wait3A_30 = tpu.memref_slice %arg4[%add3A_23] : memref<320000xi32, #tpu.memory_space<hbm>> -> memref<200xi32, #tpu.memory_space<hbm>>
        tpu.wait_dma2 semaphore(%run_scoped3A : memref<!tpu.dma_semaphore, #tpu.memory_space<semaphore_mem>>) src(%dma_wait3A_30 : memref<200xi32, #tpu.memory_space<hbm>>) dst(%arg8 : memref<200xi32, #tpu.memory_space<vmem>>)
        tpu.yield
      }) : () -> ()
      %dma_wait3A = tpu.memref_slice %arg7[%mul3A_15] : memref<10000xi32, #tpu.memory_space<vmem>> -> memref<200xi32, #tpu.memory_space<vmem>>
      %dma_wait3A_24 = arith.constant 0 : i32
      %dma_wait3A_25 = arith.constant 0 : i32
      %dma_wait3A_26 = tpu.memref_slice %arg2[%dma_wait3A_24, %dma_wait3A_25] : memref<10000x128xf32, #tpu.memory_space<hbm>> -> memref<10000x128xf32, #tpu.memory_space<hbm>>
      tpu.wait_indirect_dma semaphore(%arg12 : memref<!tpu.dma_semaphore, #tpu.memory_space<semaphore_mem>>) src(%dma_wait3A_26 : memref<10000x128xf32, #tpu.memory_space<hbm>>) dst(%arg9 : memref<200x128xf32, #tpu.memory_space<vmem>>)
      "tpu.region"() ({
        %run_scoped3A = tpu.sem_alloc : memref<!tpu.dma_semaphore, #tpu.memory_space<semaphore_mem>>
        %dma_start3A_27 = arith.constant 0 : i32
        %dma_start3A_28 = arith.constant 0 : i32
        %dma_start3A_29 = tpu.memref_slice %arg11[%dma_start3A_27, %dma_start3A_28] : memref<10112x128xf32, #tpu.memory_space<vmem_shared>> -> memref<10112x128xf32, #tpu.memory_space<vmem_shared>>
        tpu.enqueue_indirect_dma source(%arg9 : memref<200x128xf32, #tpu.memory_space<vmem>>) target(%dma_start3A_29 : memref<10112x128xf32, #tpu.memory_space<vmem_shared>>) offsets(%arg8 : memref<200xi32, #tpu.memory_space<vmem>>) semaphore(%run_scoped3A : memref<!tpu.dma_semaphore, #tpu.memory_space<semaphore_mem>>) {add = true}
        %dma_wait3A_30 = arith.constant 0 : i32
        %dma_wait3A_31 = arith.constant 0 : i32
        %dma_wait3A_32 = tpu.memref_slice %arg11[%dma_wait3A_30, %dma_wait3A_31] : memref<10112x128xf32, #tpu.memory_space<vmem_shared>> -> memref<10112x128xf32, #tpu.memory_space<vmem_shared>>
        tpu.wait_indirect_dma semaphore(%run_scoped3A : memref<!tpu.dma_semaphore, #tpu.memory_space<semaphore_mem>>) src(%arg9 : memref<200x128xf32, #tpu.memory_space<vmem>>) dst(%dma_wait3A_32 : memref<10112x128xf32, #tpu.memory_space<vmem_shared>>)
        tpu.yield
      }) : () -> ()
    }
    %scan3A_7 = arith.constant 50 : i32
    %barrier3A_8 = arith.constant 0 : index
    tpu.barrier barrier_id(%barrier3A_8)
    %mul3A_9 = arith.constant 632 : i32
    %mul3A_10 = arith.muli %arg1, %mul3A_9 : i32
    %mul3A_11 = arith.constant 632 : i32
    %mul3A_12 = arith.muli %arg1, %mul3A_11 : i32
    "tpu.region"() ({
      %run_scoped3A = tpu.sem_alloc : memref<!tpu.dma_semaphore, #tpu.memory_space<semaphore_mem>>
      %dma_start3A = arith.constant 0 : i32
      %dma_start3A_13 = tpu.memref_slice %arg6[%arg0, %mul3A_12, %dma_start3A] : memref<2x10112x128xf32, #tpu.memory_space<hbm>> -> memref<1x632x128xf32, #tpu.memory_space<hbm>>
      %dma_start3A_14 = tpu.memref_squeeze %dma_start3A_13 : memref<1x632x128xf32, #tpu.memory_space<hbm>> -> memref<632x128xf32, #tpu.memory_space<hbm>>
      %dma_start3A_15 = arith.constant 0 : i32
      %dma_start3A_16 = tpu.memref_slice %arg11[%mul3A_10, %dma_start3A_15] : memref<10112x128xf32, #tpu.memory_space<vmem_shared>> -> memref<632x128xf32, #tpu.memory_space<vmem_shared>>
      tpu.enqueue_dma source(%dma_start3A_16 : memref<632x128xf32, #tpu.memory_space<vmem_shared>>) target(%dma_start3A_14 : memref<632x128xf32, #tpu.memory_space<hbm>>) target_semaphore(%run_scoped3A : memref<!tpu.dma_semaphore, #tpu.memory_space<semaphore_mem>>)
      %dma_wait3A = arith.constant 0 : i32
      %dma_wait3A_17 = tpu.memref_slice %arg6[%arg0, %mul3A_12, %dma_wait3A] : memref<2x10112x128xf32, #tpu.memory_space<hbm>> -> memref<1x632x128xf32, #tpu.memory_space<hbm>>
      %dma_wait3A_18 = tpu.memref_squeeze %dma_wait3A_17 : memref<1x632x128xf32, #tpu.memory_space<hbm>> -> memref<632x128xf32, #tpu.memory_space<hbm>>
      %dma_wait3A_19 = arith.constant 0 : i32
      %dma_wait3A_20 = tpu.memref_slice %arg11[%mul3A_10, %dma_wait3A_19] : memref<10112x128xf32, #tpu.memory_space<vmem_shared>> -> memref<632x128xf32, #tpu.memory_space<vmem_shared>>
      tpu.wait_dma2 semaphore(%run_scoped3A : memref<!tpu.dma_semaphore, #tpu.memory_space<semaphore_mem>>) src(%dma_wait3A_20 : memref<632x128xf32, #tpu.memory_space<vmem_shared>>) dst(%dma_wait3A_18 : memref<632x128xf32, #tpu.memory_space<hbm>>)
      tpu.yield
    }) : () -> ()
    return
  }
}

module attributes {stable_mosaic.version = 14 : i64} {
  func.func @_degsum_body(%arg0: i32, %arg1: memref<32x80x128xf32, #tpu.memory_space<vmem>>, %arg2: memref<80x128xf32, #tpu.memory_space<vmem>>) attributes {dimension_semantics = [#tpu.dimension_semantics<arbitrary>], iteration_bounds = array<i64: 1>, scalar_prefetch = 0 : i64, scratch_operands = 0 : i64, tpu.core_type = #tpu.core_type<tc>, window_params = [{pipeline_mode = #tpu.pipeline_mode<synchronous>, transform_indices = @transform_0, window_bounds = array<i64: 32, 80, 128>}, {pipeline_mode = #tpu.pipeline_mode<synchronous>, transform_indices = @transform_1, window_bounds = array<i64: 80, 128>}]} {
    %get3A = arith.constant 0 : index
    %get3A_0 = arith.constant 0 : index
    %get3A_1 = arith.constant 0 : index
    %get3A_2 = vector.load %arg1[%get3A, %get3A_0, %get3A_1] : memref<32x80x128xf32, #tpu.memory_space<vmem>>, vector<32x80x128xf32>
    %reduce_sum3A = arith.constant dense<0.000000e+00> : vector<80x128xf32>
    %reduce_sum3A_3 = vector.multi_reduction <add>, %get3A_2, %reduce_sum3A [0] : vector<32x80x128xf32> to vector<80x128xf32>
    %swap3A = arith.constant 0 : index
    %swap3A_4 = arith.constant 0 : index
    %swap3A_5 = vector.load %arg2[%swap3A, %swap3A_4] : memref<80x128xf32, #tpu.memory_space<vmem>>, vector<80x128xf32>
    tpu.vector_store %arg2[%swap3A, %swap3A_4], %reduce_sum3A_3 {strides = array<i32>} : memref<80x128xf32, #tpu.memory_space<vmem>>, vector<80x128xf32>,
    return
  }
  func.func @transform_0(%arg0: i32) -> (i32, i32, i32) {
    %c0_i32 = arith.constant 0 : i32
    %c0_i32_0 = arith.constant 0 : i32
    %c0_i32_1 = arith.constant 0 : i32
    %c0_i32_2 = arith.constant 0 : i32
    return %c0_i32, %c0_i32_0, %c0_i32_1 : i32, i32, i32
  }
  func.func @transform_1(%arg0: i32) -> (i32, i32) {
    %c0_i32 = arith.constant 0 : i32
    %c0_i32_0 = arith.constant 0 : i32
    %c0_i32_1 = arith.constant 0 : i32
    return %c0_i32, %c0_i32_0 : i32, i32
  }
}

module attributes {stable_mosaic.version = 14 : i64} {
  func.func @_conv0_body(%arg0: i32, %arg1: memref<2x400x128xf32, #tpu.memory_space<vmem>>, %arg2: memref<400x128xf32, #tpu.memory_space<vmem>>, %arg3: memref<400x1xf32, #tpu.memory_space<vmem>>, %arg4: memref<128x128xf32, #tpu.memory_space<vmem>>, %arg5: memref<1x128xf32, #tpu.memory_space<vmem>>, %arg6: memref<128x128xf32, #tpu.memory_space<vmem>>, %arg7: memref<400x128xf32, #tpu.memory_space<vmem>>, %arg8: memref<400x128xf32, #tpu.memory_space<vmem>>) attributes {dimension_semantics = [#tpu.dimension_semantics<arbitrary>], iteration_bounds = array<i64: 25>, scalar_prefetch = 0 : i64, scratch_operands = 0 : i64, tpu.core_type = #tpu.core_type<tc>, window_params = [{transform_indices = @transform_0, window_bounds = array<i64: 2, 400, 128>}, {transform_indices = @transform_1, window_bounds = array<i64: 400, 128>}, {transform_indices = @transform_2, window_bounds = array<i64: 400, 1>}, {pipeline_mode = #tpu.pipeline_mode<synchronous>, transform_indices = @transform_3, window_bounds = array<i64: 128, 128>}, {pipeline_mode = #tpu.pipeline_mode<synchronous>, transform_indices = @transform_4, window_bounds = array<i64: 1, 128>}, {pipeline_mode = #tpu.pipeline_mode<synchronous>, transform_indices = @transform_5, window_bounds = array<i64: 128, 128>}, {transform_indices = @transform_6, window_bounds = array<i64: 400, 128>}, {transform_indices = @transform_7, window_bounds = array<i64: 400, 128>}]} {
    %get3A = arith.constant 0 : index
    %get3A_0 = arith.constant 0 : index
    %get3A_1 = arith.constant 0 : index
    %get3A_2 = vector.load %arg1[%get3A, %get3A_0, %get3A_1] : memref<2x400x128xf32, #tpu.memory_space<vmem>>, vector<2x400x128xf32>
    %get3A_3 = arith.constant 0 : index
    %get3A_4 = arith.constant 0 : index
    %get3A_5 = vector.load %arg3[%get3A_3, %get3A_4] : memref<400x1xf32, #tpu.memory_space<vmem>>, vector<400x1xf32>
    %max3A = arith.constant 1.000000e+00 : f32
    %max3A_6 = vector.broadcast %max3A : f32 to vector<400x1xf32>
    %max3A_7 = arith.maximumf %get3A_5, %max3A_6 : vector<400x1xf32>
    %slice3A = vector.extract_strided_slice %get3A_2 {offsets = [0, 0, 0], sizes = [1, 400, 128], strides = [1, 1, 1]} : vector<2x400x128xf32> to vector<1x400x128xf32>
    %squeeze3A = vector.shape_cast %slice3A : vector<1x400x128xf32> to vector<400x128xf32>
    %slice3A_8 = vector.extract_strided_slice %get3A_2 {offsets = [1, 0, 0], sizes = [1, 400, 128], strides = [1, 1, 1]} : vector<2x400x128xf32> to vector<1x400x128xf32>
    %squeeze3A_9 = vector.shape_cast %slice3A_8 : vector<1x400x128xf32> to vector<400x128xf32>
    %add3A = arith.addf %squeeze3A, %squeeze3A_9 : vector<400x128xf32>
    %div3A = vector.broadcast %max3A_7 : vector<400x1xf32> to vector<400x128xf32>
    %div3A_10 = arith.divf %add3A, %div3A : vector<400x128xf32>
    %get3A_11 = arith.constant 0 : index
    %get3A_12 = arith.constant 0 : index
    %get3A_13 = vector.load %arg4[%get3A_11, %get3A_12] : memref<128x128xf32, #tpu.memory_space<vmem>>, vector<128x128xf32>
    %dot_general3A = arith.constant dense<0.000000e+00> : vector<400x128xf32>
    %dot_general3A_14 = tpu.matmul %div3A_10, %get3A_13, %dot_general3A {dimension_numbers = #tpu.dot_dimension_numbers<[1], [0], [0], [1], [0, 0, 1, 1], [], []>, transpose_lhs_hint = false} : vector<400x128xf32>, vector<128x128xf32>, vector<400x128xf32> -> vector<400x128xf32>
    %get3A_15 = arith.constant 0 : index
    %get3A_16 = arith.constant 0 : index
    %get3A_17 = vector.load %arg5[%get3A_15, %get3A_16] : memref<1x128xf32, #tpu.memory_space<vmem>>, vector<1x128xf32>
    %add3A_18 = vector.broadcast %get3A_17 : vector<1x128xf32> to vector<400x128xf32>
    %add3A_19 = arith.addf %dot_general3A_14, %add3A_18 : vector<400x128xf32>
    %get3A_20 = arith.constant 0 : index
    %get3A_21 = arith.constant 0 : index
    %get3A_22 = vector.load %arg2[%get3A_20, %get3A_21] : memref<400x128xf32, #tpu.memory_space<vmem>>, vector<400x128xf32>
    %get3A_23 = arith.constant 0 : index
    %get3A_24 = arith.constant 0 : index
    %get3A_25 = vector.load %arg6[%get3A_23, %get3A_24] : memref<128x128xf32, #tpu.memory_space<vmem>>, vector<128x128xf32>
    %dot_general3A_26 = arith.constant dense<0.000000e+00> : vector<400x128xf32>
    %dot_general3A_27 = tpu.matmul %get3A_22, %get3A_25, %dot_general3A_26 {dimension_numbers = #tpu.dot_dimension_numbers<[1], [0], [0], [1], [0, 0, 1, 1], [], []>, transpose_lhs_hint = false} : vector<400x128xf32>, vector<128x128xf32>, vector<400x128xf32> -> vector<400x128xf32>
    %add3A_28 = arith.addf %add3A_19, %dot_general3A_27 : vector<400x128xf32>
    %swap3A = arith.constant 0 : index
    %swap3A_29 = arith.constant 0 : index
    %swap3A_30 = vector.load %arg7[%swap3A, %swap3A_29] : memref<400x128xf32, #tpu.memory_space<vmem>>, vector<400x128xf32>
    tpu.vector_store %arg7[%swap3A, %swap3A_29], %add3A_28 {strides = array<i32>} : memref<400x128xf32, #tpu.memory_space<vmem>>, vector<400x128xf32>,
    %max3A_31 = arith.constant 0.000000e+00 : f32
    %max3A_32 = vector.broadcast %max3A_31 : f32 to vector<400x128xf32>
    %max3A_33 = arith.maximumf %add3A_28, %max3A_32 : vector<400x128xf32>
    %swap3A_34 = arith.constant 0 : index
    %swap3A_35 = arith.constant 0 : index
    %swap3A_36 = vector.load %arg8[%swap3A_34, %swap3A_35] : memref<400x128xf32, #tpu.memory_space<vmem>>, vector<400x128xf32>
    tpu.vector_store %arg8[%swap3A_34, %swap3A_35], %max3A_33 {strides = array<i32>} : memref<400x128xf32, #tpu.memory_space<vmem>>, vector<400x128xf32>,
    return
  }
  func.func @transform_0(%arg0: i32) -> (i32, i32, i32) {
    %c0_i32 = arith.constant 0 : i32
    %c0_i32_0 = arith.constant 0 : i32
    %c0_i32_1 = arith.constant 0 : i32
    return %c0_i32, %arg0, %c0_i32_0 : i32, i32, i32
  }
  func.func @transform_1(%arg0: i32) -> (i32, i32) {
    %c0_i32 = arith.constant 0 : i32
    %c0_i32_0 = arith.constant 0 : i32
    return %arg0, %c0_i32 : i32, i32
  }
  func.func @transform_2(%arg0: i32) -> (i32, i32) {
    %c0_i32 = arith.constant 0 : i32
    %c0_i32_0 = arith.constant 0 : i32
    return %arg0, %c0_i32 : i32, i32
  }
  func.func @transform_3(%arg0: i32) -> (i32, i32) {
    %c0_i32 = arith.constant 0 : i32
    %c0_i32_0 = arith.constant 0 : i32
    %c0_i32_1 = arith.constant 0 : i32
    return %c0_i32, %c0_i32_0 : i32, i32
  }
  func.func @transform_4(%arg0: i32) -> (i32, i32) {
    %c0_i32 = arith.constant 0 : i32
    %c0_i32_0 = arith.constant 0 : i32
    %c0_i32_1 = arith.constant 0 : i32
    return %c0_i32, %c0_i32_0 : i32, i32
  }
  func.func @transform_5(%arg0: i32) -> (i32, i32) {
    %c0_i32 = arith.constant 0 : i32
    %c0_i32_0 = arith.constant 0 : i32
    %c0_i32_1 = arith.constant 0 : i32
    return %c0_i32, %c0_i32_0 : i32, i32
  }
  func.func @transform_6(%arg0: i32) -> (i32, i32) {
    %c0_i32 = arith.constant 0 : i32
    %c0_i32_0 = arith.constant 0 : i32
    return %arg0, %c0_i32 : i32, i32
  }
  func.func @transform_7(%arg0: i32) -> (i32, i32) {
    %c0_i32 = arith.constant 0 : i32
    %c0_i32_0 = arith.constant 0 : i32
    return %arg0, %c0_i32 : i32, i32
  }
}

module attributes {stable_mosaic.version = 14 : i64} {
  func.func @_pool_body(%arg0: i32, %arg1: memref<1x1x400xi32, #tpu.memory_space<vmem>>, %arg2: memref<400x128xf32, #tpu.memory_space<vmem>>, %arg3: memref<1000x128xf32, #tpu.memory_space<vmem>>, %arg4: memref<1000x1xf32, #tpu.memory_space<vmem>>) attributes {dimension_semantics = [#tpu.dimension_semantics<arbitrary>], iteration_bounds = array<i64: 25>, scalar_prefetch = 0 : i64, scratch_operands = 1 : i64, tpu.core_type = #tpu.core_type<tc>, window_params = [{transform_indices = @transform_0, window_bounds = array<i64: 1, 1, 400>}, {transform_indices = @transform_1, window_bounds = array<i64: 400, 128>}, {pipeline_mode = #tpu.pipeline_mode<synchronous>, transform_indices = @transform_2, window_bounds = array<i64: 1000, 128>}]} {
    %eq3A = arith.constant 0 : i32
    %eq3A_0 = arith.cmpi eq, %arg0, %eq3A : i32
    %convert_element_type3A = arith.extui %eq3A_0 : i1 to i32
    %cond3A = arith.constant 0 : i32
    %cond3A_1 = arith.cmpi ne, %convert_element_type3A, %cond3A : i32
    scf.if %cond3A_1 {
      %broadcast_in_dim3A_32 = arith.constant 0.000000e+00 : f32
      %broadcast_in_dim3A_33 = vector.broadcast %broadcast_in_dim3A_32 : f32 to vector<1000x128xf32>
      %swap3A_34 = arith.constant 0 : index
      %swap3A_35 = arith.constant 0 : index
      %swap3A_36 = vector.load %arg3[%swap3A_34, %swap3A_35] : memref<1000x128xf32, #tpu.memory_space<vmem>>, vector<1000x128xf32>
      tpu.vector_store %arg3[%swap3A_34, %swap3A_35], %broadcast_in_dim3A_33 {strides = array<i32>} : memref<1000x128xf32, #tpu.memory_space<vmem>>, vector<1000x128xf32>,
      %broadcast_in_dim3A_37 = arith.constant 0.000000e+00 : f32
      %broadcast_in_dim3A_38 = vector.broadcast %broadcast_in_dim3A_37 : f32 to vector<1000x1xf32>
      %swap3A_39 = arith.constant 0 : index
      %swap3A_40 = arith.constant 0 : index
      %swap3A_41 = vector.load %arg4[%swap3A_39, %swap3A_40] : memref<1000x1xf32, #tpu.memory_space<vmem>>, vector<1000x1xf32>
      tpu.vector_store %arg4[%swap3A_39, %swap3A_40], %broadcast_in_dim3A_38 {strides = array<i32>} : memref<1000x1xf32, #tpu.memory_space<vmem>>, vector<1000x1xf32>,
    } else {
    }
    %iota3A = tpu.iota {dimensions = array<i32: 0>} : vector<1000x400xi32>
    %get3A = arith.constant 0 : index
    %get3A_2 = arith.constant 0 : index
    %get3A_3 = arith.constant 0 : index
    %get3A_4 = vector.load %arg1[%get3A, %get3A_2, %get3A_3] : memref<1x1x400xi32, #tpu.memory_space<vmem>>, vector<1x1x400xi32>
    %get3A_5 = vector.shape_cast %get3A_4 : vector<1x1x400xi32> to vector<1x400xi32>
    %eq3A_6 = vector.broadcast %get3A_5 : vector<1x400xi32> to vector<1000x400xi32>
    %eq3A_7 = arith.cmpi eq, %iota3A, %eq3A_6 : vector<1000x400xi32>
    %convert_element_type3A_8 = arith.extui %eq3A_7 : vector<1000x400xi1> to vector<1000x400xi32>
    %convert_element_type3A_9 = arith.sitofp %convert_element_type3A_8 : vector<1000x400xi32> to vector<1000x400xf32>
    %get3A_10 = arith.constant 0 : index
    %get3A_11 = arith.constant 0 : index
    %get3A_12 = vector.load %arg3[%get3A_10, %get3A_11] : memref<1000x128xf32, #tpu.memory_space<vmem>>, vector<1000x128xf32>
    %get3A_13 = arith.constant 0 : index
    %get3A_14 = arith.constant 0 : index
    %get3A_15 = vector.load %arg2[%get3A_13, %get3A_14] : memref<400x128xf32, #tpu.memory_space<vmem>>, vector<400x128xf32>
    %dot_general3A = arith.constant dense<0.000000e+00> : vector<1000x128xf32>
    %dot_general3A_16 = tpu.matmul %convert_element_type3A_9, %get3A_15, %dot_general3A {dimension_numbers = #tpu.dot_dimension_numbers<[1], [0], [0], [1], [0, 0, 1, 1], [], []>, transpose_lhs_hint = false} : vector<1000x400xf32>, vector<400x128xf32>, vector<1000x128xf32> -> vector<1000x128xf32>
    %add3A = arith.addf %get3A_12, %dot_general3A_16 : vector<1000x128xf32>
    %swap3A = arith.constant 0 : index
    %swap3A_17 = arith.constant 0 : index
    %swap3A_18 = vector.load %arg3[%swap3A, %swap3A_17] : memref<1000x128xf32, #tpu.memory_space<vmem>>, vector<1000x128xf32>
    tpu.vector_store %arg3[%swap3A, %swap3A_17], %add3A {strides = array<i32>} : memref<1000x128xf32, #tpu.memory_space<vmem>>, vector<1000x128xf32>,
    %get3A_19 = arith.constant 0 : index
    %get3A_20 = arith.constant 0 : index
    %get3A_21 = vector.load %arg4[%get3A_19, %get3A_20] : memref<1000x1xf32, #tpu.memory_space<vmem>>, vector<1000x1xf32>
    %reduce_sum3A = arith.constant dense<0.000000e+00> : vector<1000xf32>
    %reduce_sum3A_22 = vector.multi_reduction <add>, %convert_element_type3A_9, %reduce_sum3A [1] : vector<1000x400xf32> to vector<1000xf32>
    %broadcast_in_dim3A = vector.shape_cast %reduce_sum3A_22 : vector<1000xf32> to vector<1000x1xf32>
    %add3A_23 = arith.addf %get3A_21, %broadcast_in_dim3A : vector<1000x1xf32>
    %swap3A_24 = arith.constant 0 : index
    %swap3A_25 = arith.constant 0 : index
    %swap3A_26 = vector.load %arg4[%swap3A_24, %swap3A_25] : memref<1000x1xf32, #tpu.memory_space<vmem>>, vector<1000x1xf32>
    tpu.vector_store %arg4[%swap3A_24, %swap3A_25], %add3A_23 {strides = array<i32>} : memref<1000x1xf32, #tpu.memory_space<vmem>>, vector<1000x1xf32>,
    %eq3A_27 = arith.constant 24 : i32
    %eq3A_28 = arith.cmpi eq, %arg0, %eq3A_27 : i32
    %convert_element_type3A_29 = arith.extui %eq3A_28 : i1 to i32
    %cond3A_30 = arith.constant 0 : i32
    %cond3A_31 = arith.cmpi ne, %convert_element_type3A_29, %cond3A_30 : i32
    scf.if %cond3A_31 {
      %get3A_32 = arith.constant 0 : index
      %get3A_33 = arith.constant 0 : index
      %get3A_34 = vector.load %arg3[%get3A_32, %get3A_33] : memref<1000x128xf32, #tpu.memory_space<vmem>>, vector<1000x128xf32>
      %get3A_35 = arith.constant 0 : index
      %get3A_36 = arith.constant 0 : index
      %get3A_37 = vector.load %arg4[%get3A_35, %get3A_36] : memref<1000x1xf32, #tpu.memory_space<vmem>>, vector<1000x1xf32>
      %max3A = arith.constant 1.000000e+00 : f32
      %max3A_38 = vector.broadcast %max3A : f32 to vector<1000x1xf32>
      %max3A_39 = arith.maximumf %get3A_37, %max3A_38 : vector<1000x1xf32>
      %div3A = vector.broadcast %max3A_39 : vector<1000x1xf32> to vector<1000x128xf32>
      %div3A_40 = arith.divf %get3A_34, %div3A : vector<1000x128xf32>
      %swap3A_41 = arith.constant 0 : index
      %swap3A_42 = arith.constant 0 : index
      %swap3A_43 = vector.load %arg3[%swap3A_41, %swap3A_42] : memref<1000x128xf32, #tpu.memory_space<vmem>>, vector<1000x128xf32>
      tpu.vector_store %arg3[%swap3A_41, %swap3A_42], %div3A_40 {strides = array<i32>} : memref<1000x128xf32, #tpu.memory_space<vmem>>, vector<1000x128xf32>,
    } else {
    }
    return
  }
  func.func @transform_0(%arg0: i32) -> (i32, i32, i32) {
    %c0_i32 = arith.constant 0 : i32
    %c0_i32_0 = arith.constant 0 : i32
    %c0_i32_1 = arith.constant 0 : i32
    return %arg0, %c0_i32, %c0_i32_0 : i32, i32, i32
  }
  func.func @transform_1(%arg0: i32) -> (i32, i32) {
    %c0_i32 = arith.constant 0 : i32
    %c0_i32_0 = arith.constant 0 : i32
    return %arg0, %c0_i32 : i32, i32
  }
  func.func @transform_2(%arg0: i32) -> (i32, i32) {
    %c0_i32 = arith.constant 0 : i32
    %c0_i32_0 = arith.constant 0 : i32
    %c0_i32_1 = arith.constant 0 : i32
    return %c0_i32, %c0_i32_0 : i32, i32
  }
}

module attributes {stable_mosaic.version = 14 : i64} {
  func.func @_conv1_body(%arg0: i32, %arg1: memref<2x400x128xf32, #tpu.memory_space<vmem>>, %arg2: memref<400x128xf32, #tpu.memory_space<vmem>>, %arg3: memref<400x1xf32, #tpu.memory_space<vmem>>, %arg4: memref<128x128xf32, #tpu.memory_space<vmem>>, %arg5: memref<1x128xf32, #tpu.memory_space<vmem>>, %arg6: memref<128x128xf32, #tpu.memory_space<vmem>>, %arg7: memref<400x128xf32, #tpu.memory_space<vmem>>) attributes {dimension_semantics = [#tpu.dimension_semantics<arbitrary>], iteration_bounds = array<i64: 25>, scalar_prefetch = 0 : i64, scratch_operands = 0 : i64, tpu.core_type = #tpu.core_type<tc>, window_params = [{transform_indices = @transform_0, window_bounds = array<i64: 2, 400, 128>}, {transform_indices = @transform_1, window_bounds = array<i64: 400, 128>}, {transform_indices = @transform_2, window_bounds = array<i64: 400, 1>}, {pipeline_mode = #tpu.pipeline_mode<synchronous>, transform_indices = @transform_3, window_bounds = array<i64: 128, 128>}, {pipeline_mode = #tpu.pipeline_mode<synchronous>, transform_indices = @transform_4, window_bounds = array<i64: 1, 128>}, {pipeline_mode = #tpu.pipeline_mode<synchronous>, transform_indices = @transform_5, window_bounds = array<i64: 128, 128>}, {transform_indices = @transform_6, window_bounds = array<i64: 400, 128>}]} {
    %get3A = arith.constant 0 : index
    %get3A_0 = arith.constant 0 : index
    %get3A_1 = arith.constant 0 : index
    %get3A_2 = vector.load %arg1[%get3A, %get3A_0, %get3A_1] : memref<2x400x128xf32, #tpu.memory_space<vmem>>, vector<2x400x128xf32>
    %get3A_3 = arith.constant 0 : index
    %get3A_4 = arith.constant 0 : index
    %get3A_5 = vector.load %arg3[%get3A_3, %get3A_4] : memref<400x1xf32, #tpu.memory_space<vmem>>, vector<400x1xf32>
    %max3A = arith.constant 1.000000e+00 : f32
    %max3A_6 = vector.broadcast %max3A : f32 to vector<400x1xf32>
    %max3A_7 = arith.maximumf %get3A_5, %max3A_6 : vector<400x1xf32>
    %slice3A = vector.extract_strided_slice %get3A_2 {offsets = [0, 0, 0], sizes = [1, 400, 128], strides = [1, 1, 1]} : vector<2x400x128xf32> to vector<1x400x128xf32>
    %squeeze3A = vector.shape_cast %slice3A : vector<1x400x128xf32> to vector<400x128xf32>
    %slice3A_8 = vector.extract_strided_slice %get3A_2 {offsets = [1, 0, 0], sizes = [1, 400, 128], strides = [1, 1, 1]} : vector<2x400x128xf32> to vector<1x400x128xf32>
    %squeeze3A_9 = vector.shape_cast %slice3A_8 : vector<1x400x128xf32> to vector<400x128xf32>
    %add3A = arith.addf %squeeze3A, %squeeze3A_9 : vector<400x128xf32>
    %div3A = vector.broadcast %max3A_7 : vector<400x1xf32> to vector<400x128xf32>
    %div3A_10 = arith.divf %add3A, %div3A : vector<400x128xf32>
    %get3A_11 = arith.constant 0 : index
    %get3A_12 = arith.constant 0 : index
    %get3A_13 = vector.load %arg4[%get3A_11, %get3A_12] : memref<128x128xf32, #tpu.memory_space<vmem>>, vector<128x128xf32>
    %dot_general3A = arith.constant dense<0.000000e+00> : vector<400x128xf32>
    %dot_general3A_14 = tpu.matmul %div3A_10, %get3A_13, %dot_general3A {dimension_numbers = #tpu.dot_dimension_numbers<[1], [0], [0], [1], [0, 0, 1, 1], [], []>, transpose_lhs_hint = false} : vector<400x128xf32>, vector<128x128xf32>, vector<400x128xf32> -> vector<400x128xf32>
    %get3A_15 = arith.constant 0 : index
    %get3A_16 = arith.constant 0 : index
    %get3A_17 = vector.load %arg5[%get3A_15, %get3A_16] : memref<1x128xf32, #tpu.memory_space<vmem>>, vector<1x128xf32>
    %add3A_18 = vector.broadcast %get3A_17 : vector<1x128xf32> to vector<400x128xf32>
    %add3A_19 = arith.addf %dot_general3A_14, %add3A_18 : vector<400x128xf32>
    %get3A_20 = arith.constant 0 : index
    %get3A_21 = arith.constant 0 : index
    %get3A_22 = vector.load %arg2[%get3A_20, %get3A_21] : memref<400x128xf32, #tpu.memory_space<vmem>>, vector<400x128xf32>
    %get3A_23 = arith.constant 0 : index
    %get3A_24 = arith.constant 0 : index
    %get3A_25 = vector.load %arg6[%get3A_23, %get3A_24] : memref<128x128xf32, #tpu.memory_space<vmem>>, vector<128x128xf32>
    %dot_general3A_26 = arith.constant dense<0.000000e+00> : vector<400x128xf32>
    %dot_general3A_27 = tpu.matmul %get3A_22, %get3A_25, %dot_general3A_26 {dimension_numbers = #tpu.dot_dimension_numbers<[1], [0], [0], [1], [0, 0, 1, 1], [], []>, transpose_lhs_hint = false} : vector<400x128xf32>, vector<128x128xf32>, vector<400x128xf32> -> vector<400x128xf32>
    %add3A_28 = arith.addf %add3A_19, %dot_general3A_27 : vector<400x128xf32>
    %reduce_max3A = arith.constant dense<0xFF800000> : vector<400xf32>
    %reduce_max3A_29 = vector.multi_reduction <maximumf>, %add3A_28, %reduce_max3A [1] : vector<400x128xf32> to vector<400xf32>
    %broadcast_in_dim3A = vector.shape_cast %reduce_max3A_29 : vector<400xf32> to vector<400x1xf32>
    %sub3A = vector.broadcast %broadcast_in_dim3A : vector<400x1xf32> to vector<400x128xf32>
    %sub3A_30 = arith.subf %add3A_28, %sub3A : vector<400x128xf32>
    %exp3A = math.exp %sub3A_30 : vector<400x128xf32>
    %reduce_sum3A = arith.constant dense<0.000000e+00> : vector<400xf32>
    %reduce_sum3A_31 = vector.multi_reduction <add>, %exp3A, %reduce_sum3A [1] : vector<400x128xf32> to vector<400xf32>
    %broadcast_in_dim3A_32 = vector.shape_cast %reduce_sum3A_31 : vector<400xf32> to vector<400x1xf32>
    %log3A = math.log %broadcast_in_dim3A_32 : vector<400x1xf32>
    %sub3A_33 = vector.broadcast %broadcast_in_dim3A : vector<400x1xf32> to vector<400x128xf32>
    %sub3A_34 = arith.subf %add3A_28, %sub3A_33 : vector<400x128xf32>
    %sub3A_35 = vector.broadcast %log3A : vector<400x1xf32> to vector<400x128xf32>
    %sub3A_36 = arith.subf %sub3A_34, %sub3A_35 : vector<400x128xf32>
    %swap3A = arith.constant 0 : index
    %swap3A_37 = arith.constant 0 : index
    %swap3A_38 = vector.load %arg7[%swap3A, %swap3A_37] : memref<400x128xf32, #tpu.memory_space<vmem>>, vector<400x128xf32>
    tpu.vector_store %arg7[%swap3A, %swap3A_37], %sub3A_36 {strides = array<i32>} : memref<400x128xf32, #tpu.memory_space<vmem>>, vector<400x128xf32>,
    return
  }
  func.func @transform_0(%arg0: i32) -> (i32, i32, i32) {
    %c0_i32 = arith.constant 0 : i32
    %c0_i32_0 = arith.constant 0 : i32
    %c0_i32_1 = arith.constant 0 : i32
    return %c0_i32, %arg0, %c0_i32_0 : i32, i32, i32
  }
  func.func @transform_1(%arg0: i32) -> (i32, i32) {
    %c0_i32 = arith.constant 0 : i32
    %c0_i32_0 = arith.constant 0 : i32
    return %arg0, %c0_i32 : i32, i32
  }
  func.func @transform_2(%arg0: i32) -> (i32, i32) {
    %c0_i32 = arith.constant 0 : i32
    %c0_i32_0 = arith.constant 0 : i32
    return %arg0, %c0_i32 : i32, i32
  }
  func.func @transform_3(%arg0: i32) -> (i32, i32) {
    %c0_i32 = arith.constant 0 : i32
    %c0_i32_0 = arith.constant 0 : i32
    %c0_i32_1 = arith.constant 0 : i32
    return %c0_i32, %c0_i32_0 : i32, i32
  }
  func.func @transform_4(%arg0: i32) -> (i32, i32) {
    %c0_i32 = arith.constant 0 : i32
    %c0_i32_0 = arith.constant 0 : i32
    %c0_i32_1 = arith.constant 0 : i32
    return %c0_i32, %c0_i32_0 : i32, i32
  }
  func.func @transform_5(%arg0: i32) -> (i32, i32) {
    %c0_i32 = arith.constant 0 : i32
    %c0_i32_0 = arith.constant 0 : i32
    %c0_i32_1 = arith.constant 0 : i32
    return %c0_i32, %c0_i32_0 : i32, i32
  }
  func.func @transform_6(%arg0: i32) -> (i32, i32) {
    %c0_i32 = arith.constant 0 : i32
    %c0_i32_0 = arith.constant 0 : i32
    return %arg0, %c0_i32 : i32, i32
  }
}

</mosaic_0001>

<sc_bundles>
// kernel: kernel.11.cloned.1.call-start
scs
__scs_entry_jumppad:
0x0: {  	(pc) =	sbr.rel $0x88, $3  }
0x1: {  	(tag) =	ssettag $0x0;
	lr =	simm.s32 $0x1  }
0x2: {  	[smem:$0x3F98] =	sst lr;
	_ =	strace $0xD0000000  }
0x3: {  	_ = 	snop  }
0x4: {  	_ = 	snop  }
0x5: {  	_ = 	snop  }
0x6: {  	_ = 	snop  }
0x7: {  	_ = 	snop  }
__scs_overlays_trampoline_lowered:
0x8: {  	[smem:$0x3FA7] =	sst s0  }
0x9: {  	[smem:$0x3FA8] =	sst s1  }
0xa: {  	[smem:$0x3FA9] =	sst s2  }
0xb: {  	[smem:$0x3FAA] =	sst s3  }
0xc: {  	[smem:$0x3FAB] =	sst s4  }
0xd: {  	[smem:$0x3FAC] =	sst s5  }
0xe: {  	[smem:$0x3FAD] =	sst s6  }
0xf: {  	[smem:$0x3FAE] =	sst s7  }
0x10: {  	[smem:$0x3FAF] =	sst s8  }
0x11: {  	[smem:$0x3FB0] =	sst s9;
	s0 =	simm.s32 @!p0 $0x0  }
0x12: {  	s1 =	sld [smem:$0x3F96];
	s0 =	simm.s32 @p0 $0x1  }
0x13: {  	[smem:$0x3FB1] =	sst s0;
	s0 =	simm.s32 @!p1 $0x0  }
0x14: {  	s2 =	sld [smem:$0x3F95];
	s0 =	simm.s32 @p1 $0x1  }
0x15: {  	[smem:$0x3FB2] =	sst s0;
	s0 =	simm.s32 @!p2 $0x0  }
0x16: {  	s3 =	sld [smem:$0x3FDB];
	s0 =	simm.s32 @p2 $0x1  }
0x17: {  	s4 =	simm.s32 $0x1BF5;
	[smem:$0x3FB4] =	sst s0  }
0x18: {  	s0 =	sld [smem:$0x3F97];
	_ =	swait.ge [sflag:s4], $0x0  }
0x19: {  	s7 =	sld [smem:$0x3F98]  }
0x1a: {  	s8 =	sadd.s32 $0xFFFFE003, lr  }
0x1b: {  	s9 =	sadd.s32 $0xFFFFFEF7, lr;
	s5 =	simm.s32 $0xFFFFFFFF;
	p2 =	slt.u32 s8, $0xFFFFF086  }
0x1c: {  	p1 =	slt.u32 s9, $0xF7A;
	s5 =	simm.s32 @!p2 $0x0  }
0x1d: {  	s5 =	simm.s32 @p1 $0x1;
	p0 =	seq.s32 s7, s2  }
0x1e: {  	s7 =	smul.u32 @!p0 $0xF7A, s2;
	p2 =	seq.s32 @!p0 s5, $0x0  }
0x1f: {  	s9 =	smul.u32 $0xF7A, s1;
	s8 =	simm.s32 @!p0 $0x1BF5;
	p2 =	por !p2, p0  }
0x20: {  	[sflag:s8] =	ssyncset.s32 @!p0 $0xFFFFF086;
	s6 =	sadd.s32 @!p0 s3, s7;
	s7 =	simm.s32 @!p0 $0x108  }
0x21: {  	s3 =	sadd.s32 s3, s9;
	s6 =	sadd.s32 @!p0 $0x88, s6;
	s7 =	simm.s32 @p2 $0x1082  }
0x22: {  	[simem:s7], [sflag:s8] =	dma.local @!p0 [hbm:s6], $0xF7A  }
0x23: {  	s9 =	sor.u32 $0xD0000000, s2;
	s6 =	simm.s32 $0x108;
	_ =	swait.ge @!p0 [sflag:s8], $0x0  }
0x24: {  	s3 =	sadd.s32 $0x88, s3;
	s6 =	simm.s32 @!p1 $0x1082;
	[sflag:s4] =	ssyncset.s32 $0xFFFFF086  }
0x25: {  	[simem:s6], [sflag:s4] =	dma.local [hbm:s3], $0xF7A  }
0x26: {  	[smem:$0x3F98] =	sst s1;
	(tag) =	ssettag s2;
	_ =	strace s9  }
0x27: {  	s1 =	sld [smem:$0x3FA8]  }
0x28: {  	s2 =	sld [smem:$0x3FA9]  }
0x29: {  	s4 =	sld [smem:$0x3FAB]  }
0x2a: {  	p0 =	seq.s32 s5, $0x0;
	s5 =	sld [smem:$0x3FAC]  }
0x2b: {  	s6 =	sld [smem:$0x3FAD]  }
0x2c: {  	s7 =	sld [smem:$0x3FAE]  }
0x2d: {  	s3 =	simm.s32 $0x108;
	s8 =	sld [smem:$0x3FAF]  }
0x2e: {  	s3 =	simm.s32 @!p0 $0x1082;
	s9 =	sld [smem:$0x3FB0]  }
0x2f: {  	lr =	sadd.s32 s0, s3;
	s0 =	sld [smem:$0x3FA7]  }
0x30: {  	s3 =	sld [smem:$0x3FAA]  }
0x31: {  	[smem:$0x3FB3] =	sst s10  }
0x32: {  	s10 =	sld [smem:$0x3FB1];
	_ =	sdelay $0x3  }
0x33: {  	p0 =	seq.s32 s10, $0x1;
	s10 =	sld [smem:$0x3FB3];
	_ =	sdelay $0x3  }
0x34: {  	[smem:$0x3FB3] =	sst s10  }
0x35: {  	s10 =	sld [smem:$0x3FB2];
	_ =	sdelay $0x3  }
0x36: {  	p1 =	seq.s32 s10, $0x1;
	s10 =	sld [smem:$0x3FB3];
	_ =	sdelay $0x3  }
0x37: {  	[smem:$0x3FB3] =	sst s10  }
0x38: {  	s10 =	sld [smem:$0x3FB4]  }
0x39: {  	_ = 	snop;
	(pc) =	sbr.ind lr, $3  }
0x3a: {  	_ = 	snop  }
0x3b: {  	_ = 	snop  }
0x3c: {  	p2 =	seq.s32 s10, $0x1;
	s10 =	sld [smem:$0x3FB3]  }
0x3d: {  	_ =	shalt  }
0x3e: {  	_ =	shalt  }
0x3f: {  	_ =	shalt  }
0x40: {  	_ =	shalt  }
0x41: {  	_ =	shalt  }
0x42: {  	_ =	shalt  }
0x43: {  	_ =	shalt  }
0x44: {  	_ =	shalt  }
0x45: {  	_ =	shalt  }
0x46: {  	_ =	shalt  }
0x47: {  	_ =	shalt  }
0x48: {  	_ =	shalt  }
0x49: {  	_ =	shalt  }
0x4a: {  	_ =	shalt  }
0x4b: {  	_ =	shalt  }
0x4c: {  	_ =	shalt  }
0x4d: {  	_ =	shalt  }
0x4e: {  	_ =	shalt  }
0x4f: {  	_ =	shalt  }
0x50: {  	_ =	shalt  }
0x51: {  	_ =	shalt  }
0x52: {  	_ =	shalt  }
0x53: {  	_ =	shalt  }
0x54: {  	_ =	shalt  }
0x55: {  	_ =	shalt  }
0x56: {  	_ =	shalt  }
0x57: {  	_ =	shalt  }
0x58: {  	_ =	shalt  }
0x59: {  	_ =	shalt  }
0x5a: {  	_ =	shalt  }
0x5b: {  	_ =	shalt  }
0x5c: {  	_ =	shalt  }
0x5d: {  	_ =	shalt  }
0x5e: {  	_ =	shalt  }
0x5f: {  	_ =	shalt  }
0x60: {  	_ =	shalt  }
0x61: {  	_ =	shalt  }
0x62: {  	_ =	shalt  }
0x63: {  	_ =	shalt  }
0x64: {  	_ =	shalt  }
0x65: {  	_ =	shalt  }
0x66: {  	_ =	shalt  }
0x67: {  	_ =	shalt  }
0x68: {  	_ =	shalt  }
0x69: {  	_ =	shalt  }
0x6a: {  	_ =	shalt  }
0x6b: {  	_ =	shalt  }
0x6c: {  	_ =	shalt  }
0x6d: {  	_ =	shalt  }
0x6e: {  	_ =	shalt  }
0x6f: {  	_ =	shalt  }
0x70: {  	_ =	shalt  }
0x71: {  	_ =	shalt  }
0x72: {  	_ =	shalt  }
0x73: {  	_ =	shalt  }
0x74: {  	_ =	shalt  }
0x75: {  	_ =	shalt  }
0x76: {  	_ =	shalt  }
0x77: {  	_ =	shalt  }
0x78: {  	_ =	shalt  }
0x79: {  	_ =	shalt  }
0x7a: {  	_ =	shalt  }
0x7b: {  	_ =	shalt  }
0x7c: {  	_ =	shalt  }
0x7d: {  	_ =	shalt  }
0x7e: {  	_ =	shalt  }
0x7f: {  	_ =	shalt  }
0x80: {  	_ =	shalt  }
0x81: {  	_ =	shalt  }
0x82: {  	_ =	shalt  }
0x83: {  	_ =	shalt  }
0x84: {  	_ =	shalt  }
0x85: {  	_ =	shalt  }
0x86: {  	_ =	shalt  }
0x87: {  	_ =	shalt  }
.Lfunc_end0:
.L_simem_size_0:
called_computation.1_lowered:
.L_overlay_start_0:
0x88: {  	s2 =	sld [smem:$0x3FD9]  }
0x89: {  	s3 =	sld [smem:$0x3FFE];
	_ =	sdelay $0x1  }
0x8a: {  	s1 =	srdreg.scid  }
0x8b: {  	s0 =	sand.u32 $0x1, s1  }
0x8c: {  	s14 =	sshll.u32 s0, $0xA;
	s2 =	sadd.s32 s3, s2  }
0x8d: {  	s2 =	sadd.s32 s2, s14  }
0x8e: {  	[smem:$0x3FBF] =	sst s2  }
0x8f: {  	_ = 	snop  }
0x90: {  	s2 =	sld [smem:$0x3FD0];
	_ =	sdelay $0x2  }
0x91: {  	s15 =	simm.s32 $0xA;
	s4 =	simm.s32 $0x10  }
0x92: {  	[smem:s4], [sflag:s15] =	dma.local [hbm:s2], $0x1  }
0x93: {  	_ =	swait.eq [sflag:s15], $0x1  }
0x94: {  	[sflag:s15] =	ssyncset.done $0x0  }
0x95: {  	[sflag:s15] =	ssyncadd.s32 $0xFFFFFFFF  }
0x96: {  	s16 =	sld [smem:$0x10];
	(tm) =	ssettm $0x1  }
0x97: {  	s17 =	sld [smem:$0x3FFB];
	_ =	sdelay $0x3  }
0x98: {  	_ =	strace s17  }
0x99: {  	s3 =	sld [smem:$0x3FFC];
	_ =	sdelay $0x3  }
0x9a: {  	_ =	strace s3  }
0x9b: {  	s3 =	sld [smem:$0x3FFD];
	_ =	sdelay $0x3  }
0x9c: {  	_ =	strace s3  }
0x9d: {  	_ =	strace $0x8FFFFFFF  }
0x9e: {  	s18 =	sld [smem:$0x3FDB];
	_ =	sdelay $0x1  }
0x9f: {  	s19 =	simm.s32 $_scs_section_size  }
0xa0: {  	s5 =	simm.s32 $_size__tile_overlayer_lowered;
	s6 =	simm.s32 $_tile_overlayer_lowered  }
0xa1: {  	s22 =	simm.s32 $0x1BFF;
	s21 =	sshll.u32 s6, $0x1;
	s3 =	sadd.s32 s19, s18  }
0xa2: {  	s7 =	simm.s32 $0x0;
	s20 =	sshll.u32 s5, $0x1;
	s5 =	sadd.s32 s21, s3  }
0xa3: {  	[timem:s7], [sflag:s22] =	dma.local [hbm:s5], s20  }
0xa4: {  	_ =	swait.ge [sflag:s22], s20  }
0xa5: {  	s4 =	ssub.s32 $0x0, s20;
	[sflag:s22] =	ssyncset.done $0x0  }
0xa6: {  	[sflag:s22] =	ssyncadd.s32 s4;
	_ =	sdelay $0x1  }
0xa7: {  	s23 =	simm.s32 $0x1B8B  }
0xa8: {  	_ =	swait.ge [sflag:s23], $0x1  }
0xa9: {  	[sflag:s23] =	ssyncset.done $0x0  }
0xaa: {  	s25 =	simm.s32 $0x1B8E;
	s24 =	sld [smem:$0x3FFE];
	[sflag:s23] =	ssyncadd.s32 $0xFFFFFFFF  }
0xab: {  	s26 =	simm.s32 $execute0_lowered;
	[smem:$0x3FD2] =	sst s25  }
0xac: {  	s5 =	sshll.u32 s26, $0x1;
	_ =	strace $0x80000049;
	[dreg:$0x1] =	wrdreg $0xFFFFFFFF  }
0xad: {  	s28 =	simm.s32 $_size_execute0_lowered;
	s3 =	sadd.s32 s3, s5;
	[dreg:$0x0] =	wrdreg $0x0  }
0xae: {  	s5 =	sshll.u32 s28, $0x1;
	[dreg:$0x2] =	wrdreg s3  }
0xaf: {  	[dreg:$0x3] =	wrdreg s5  }
0xb0: {  	[dreg:$0x4] =	wrdreg $0xC0  }
0xb1: {  	_ =	task [dreg:s7], $0x5FFFF  }
0xb2: {  	[dreg:$0x1] =	wrdreg $0xFFFFFFFF  }
0xb3: {  	[dreg:$0x0] =	wrdreg $0x60  }
0xb4: {  	[dreg:$0x2] =	wrdreg s16  }
0xb5: {  	[dreg:$0x3] =	wrdreg s24  }
0xb6: {  	[dreg:$0x4] =	wrdreg $0x8C800  }
0xb7: {  	[dreg:$0x5] =	wrdreg $0x9  }
0xb8: {  	_ =	task.clear_ibuf [dreg:s7], $0x6FFFF;
	_ =	strace $0x90000049  }
0xb9: {  	s29 =	simm.s32 $0x9;
	_ =	strace $0x8000004B  }
0xba: {  	_ =	swait.ge [sflag:s29], $0x1  }
0xbb: {  	[sflag:s29] =	ssyncadd.s32 $0xFFFFFFFF  }
0xbc: {  	_ =	strace $0x9000004B  }
0xbd: {  	_ =	sfence  }
0xbe: {  	s30 =	sld [smem:$0x0];
	_ =	sdelay $0x2  }
0xbf: {  	s31 =	sshll.u32 s1, $0xD;
	s1 =	sshrl.u32 s1, $0x2  }
0xc0: {  	s3 =	sand.u32 $0x4000, s31;
	s1 =	sadd.s32 s1, s30  }
0xc1: {  	s0 =	sor.u32 s3, s0;
	s1 =	sshll.u32 s1, $0x11  }
0xc2: {  	s0 =	sor.u32 s1, s0  }
0xc3: {  	s0 =	sadd.s32 $0x8F2B, s0  }
0xc4: {  	[sflag:s0] =	ssyncadd.remote.s32 $0x1  }
0xc5: {  	_ =	sfence.sel $0xFFFF  }
0xc6: {  	[dreg:$0x0] =	wrdreg $0xFFFFFFFF;
	(pc) =	sbr.abs _section_cstart, $3  }
0xc7: {  	[dreg:$0x1] =	wrdreg $0xFFFFFFFF  }
0xc8: {  	_ =	task.clear_ibuf [dreg:s7], $0x2FFFF;
	_ =	strace $0x9FFFFFFF  }
0xc9: {  	(tm) =	ssettm $0x7FFFFFFF  }
tec
execute0_lowered:
.L_overlay_start_1:
0x0: {  	(tag) =	ssettag $0x1  }
0x1: {  	s2 =	rddreg [dreg:$0x0]  }
0x2: {  	s0 =	srdreg.scid;
	s6 =	rddreg [dreg:$0x1]  }
0x3: {  	s3 =	rddreg [dreg:$0x2];
	s4 =	simm.s32 $0x0;
	s13 =	simm.s32 $0x80  }
0x4: {  	s14 =	simm.s32 $0x400;
	s15 =	simm.s32 $0xC8;
	s5 =	sand.u32 $0x1, s0  }
0x5: {  	s16 =	simm.s32 $0x2880;
	s0 =	stileid.u32;
	s8 =	smul.u32 $0x27100, s5  }
0x6: {  	s17 =	simm.s32 $0x2780;
	s18 =	simm.s32 $0x1;
	s10 =	smul.u32 $0x2710, s0  }
0x7: {  	s19 =	simm.s32 $0x0;
	[smem:$0x7FF] =	sst s4;
	s11 =	smul.u32 $0x13C000, s5  }
0x8: {  	s1 =	sshll.u32 s5, $0x4;
	s9 =	sshll.u32 s0, $0x7;
	s23 =	smul.u32 $0x13C00, s0  }
0x9: {  	s26 =	ssub.s32 $0x2, s5;
	s28 =	smul.u32 $0x4F000, s0;
	s5 =	sadd.s32 $0x16600, s6  }
0xa: {  	s31 =	sshll.u32 s0, $0x6;
	s1 =	sor.u32 s0, s1;
	s9 =	sand.u32 $0x380, s9  }
0xb: {  	s29 =	sshrl.u32 s26, $0x1;
	s1 =	sshrl.u32 s1, $0x3;
	s8 =	sadd.s32 s10, s8  }
0xc: {  	s25 =	sadd.s32 s23, s11;
	s30 =	sshrl.u32 s28, $0x2;
	s7 =	smul.u32 $0x13C00, s1  }
0xd: {  	s1 =	rddreg [dreg:$0x3];
	_ =	strace $0x8000004A;
	s8 =	sshrl.u32 s8, $0x3  }
0xe: {  	s12 =	sadd.s32 s30, s3;
	s24 =	sadd.s32 s8, s6;
	s8 =	sshrl.u32 s25, $0x3  }
0xf: {  	s11 =	sshrl.u32 s12, $0x3;
	s12 =	simm.s32 $0x2;
	s7 =	sor.u32 s9, s7  }
0x10: {  	s8 =	sadd.s32 s8, s6;
	s9 =	ssub.s32 s26, s29;
	s7 =	sshrl.u32 s7, $0x3  }
0x11: {  	s10 =	sadd.s32 $0x2A00, s24;
	s8 =	sadd.s32 $0x18E00, s8;
	s7 =	sadd.s32 s7, s6  }
0x12: {  	s9 =	smax.u32 s9, $0x1;
	s6 =	sor.u32 $0x1C02, s31;
	s7 =	sadd.s32 $0xC800, s7  }
.LBB2_1:
0x13: {  	[spmem:s11], [sflag:s6] =	dma.local [hbm:s5], $0x2780  }
0x14: {  	_ =	swait.ge [sflag:s12], $0x2780  }
0x15: {  	[sflag:s12] =	ssyncset.done $0x0  }
0x16: {  	[sflag:s12] =	ssyncadd.s32 $0xFFFFD880  }
0x17: {  	[tilespmem:s4], [sflag:$0x2] =	stream.strided.gather [hbm4b:s7+s13], $0x2780, s14, s13, $0x38;
	[tilespmem:$0x1C880] =	vst v63  }
0x18: {  	_ =	swait.ge [sflag:s12], $0x2780  }
0x19: {  	[sflag:s12] =	ssyncset.done $0x0  }
0x1a: {  	[sflag:s12] =	ssyncadd.s32 $0xFFFFD880  }
0x1b: {  	[bflag:$0x0] =	sbarrier.arrive $0xFFFF  }
0x1c: {  	[tilespmem:s16], [sflag:$0x1] =	stream.indirect.gather [hbm4b:s2+s15], $0x80, s4, s15, $0xb8;
	[tilespmem:$0x1C880] =	vst v63  }
0x1d: {  	s20 =	sadd.s32 $0x0, s10  }
0x1e: {  	[tilespmem:s17], [sflag:$0x2] =	stream.linear.gather [hbm4b:s20+s4], $0xC8, $0x38;
	[tilespmem:$0x1C880] =	vst v63  }
0x1f: {  	_ =	swait.ge [sflag:s12], $0xC8  }
0x20: {  	[sflag:s12] =	ssyncset.done $0x0  }
0x21: {  	[sflag:s12] =	ssyncadd.s32 $0xFFFFFF38  }
0x22: {  	_ =	swait.ge [sflag:s18], $0x6400  }
0x23: {  	[sflag:s18] =	ssyncset.done $0x0  }
0x24: {  	[sflag:s18] =	ssyncadd.s32 $0xFFFF9C00  }
0x25: {  	[spmem:s3] =	stream.indirect.scatter.add.f32 [tilespmem:s16], [sflag:$0x2], $0x80, s17, s15, $0xb8;
	[tilespmem:$0x1C880] =	vst v63  }
0x26: {  	_ =	swait.ge [sflag:s12], $0x6400  }
0x27: {  	s21 =	simm.s32 $0x0;
	s20 =	simm.s32 $0x19;
	[sflag:s12] =	ssyncset.done $0x0  }
.LBB2_2:
0x28: {  	p0 =	sne.s32 s20, $0x4C9;
	[sflag:s12] =	ssyncadd.s32 $0xFFFF9C00;
	s21 =	sadd.s32 $0xC8, s21  }
0x29: {  	[tilespmem:s16], [sflag:$0x1] =	stream.indirect.gather [hbm4b:s2+s15], $0x80, s21, s15, $0xb8;
	[tilespmem:$0x1C880] =	vst v63  }
0x2a: {  	s22 =	sadd.s32 s20, s10;
	s20 =	sadd.s32 $0x19, s20  }
0x2b: {  	[tilespmem:s17], [sflag:$0x2] =	stream.linear.gather [hbm4b:s22+s4], $0xC8, $0x38;
	[tilespmem:$0x1C880] =	vst v63  }
0x2c: {  	_ =	swait.ge [sflag:s12], $0xC8  }
0x2d: {  	[sflag:s12] =	ssyncset.done $0x0  }
0x2e: {  	[sflag:s12] =	ssyncadd.s32 $0xFFFFFF38  }
0x2f: {  	_ =	swait.ge [sflag:s18], $0x6400  }
.Ltmp0:
0x30: {  	[sflag:s18] =	ssyncset.done $0x0;
	(pc) =	sbr.rel @p0 .LBB2_2-.Ltmp0, $4  }
0x31: {  	[sflag:s18] =	ssyncadd.s32 $0xFFFF9C00  }
0x32: {  	[spmem:s3] =	stream.indirect.scatter.add.f32 [tilespmem:s16], [sflag:$0x2], $0x80, s17, s15, $0xb8;
	[tilespmem:$0x1C880] =	vst v63  }
0x33: {  	_ =	swait.ge [sflag:s12], $0x6400  }
0x34: {  	[sflag:s12] =	ssyncset.done $0x0  }
0x35: {  	s19 =	sadd.s32 $0x1, s19  }
0x36: {  	[sflag:s12] =	ssyncadd.s32 $0xFFFF9C00;
	p0 =	sne.s32 s19, s9  }
.Ltmp1:
0x37: {  	[bflag:$0x0] =	sbarrier.arrive $0xFFFF;
	(pc) =	sbr.rel @p0 .LBB2_1-.Ltmp1, $4  }
0x38: {  	[hbm:s8], [sflag:s6] =	dma.local [spmem:s11], $0x2780  }
0x39: {  	_ =	swait.ge [sflag:s12], $0x2780  }
0x3a: {  	[sflag:s12] =	ssyncset.done $0x0  }
0x3b: {  	[sflag:s12] =	ssyncadd.s32 $0xFFFFD880  }
0x3c: {  	_ =	sfence.sel $0x180000  }
0x3d: {  	[bflag:$0x0] =	sbarrier.arrive $0xFFFF  }
0x3e: {  	p0 =	sne.s32 s0, $0x0;
	_ =	strace $0x9000004A  }
0x3f: {  	s0 =	sadd.s32 @!p0 $0x100000, s1;
	[bflag:$0x2] =	sbarrier.arrive $0xFFFF  }
0x40: {  	[sflag:s0] =	ssyncadd.tile.s32 @!p0 $0x1;
	_ =	shalt  }
.Lfunc_end2:
_tile_overlayer_lowered:
.L_overlay_start_2:
0x41: {  	(tag) =	ssettag $0x2  }
0x42: {  	s0 =	rddreg [dreg:$0x0];
	s2 =	stileid.u32  }
0x43: {  	s1 =	rddreg [dreg:$0x1];
	p0 =	sne.s32 s2, $0x0  }
0x44: {  	s3 =	rddreg [dreg:$0x2];
	[bflag:$0x3] =	sbarrier.arrive $0xFFFF;
	s2 =	simm.s32 @!p0 $0x1C02  }
0x45: {  	[timem:s3], [sflag:s2] =	dma.local @!p0 [hbm:s0], s1  }
0x46: {  	s0 =	simm.s32 @!p0 $0x2  }
0x47: {  	_ =	swait.ge @!p0 [sflag:s0], s1  }
0x48: {  	s1 =	ssub.s32 @!p0 $0x0, s1;
	[sflag:s0] =	ssyncset.done @!p0 $0x0  }
0x49: {  	[sflag:s0] =	ssyncadd.s32 @!p0 s1  }
0x4a: {  	[bflag:$0x3] =	sbarrier.arrive $0xFFFF  }
0x4b: {  	_ =	shalt  }

// kernel: kernel.8.cloned.1.call-start
scs
__scs_entry_jumppad:
0x0: {  	(pc) =	sbr.rel $0x88, $3  }
0x1: {  	(tag) =	ssettag $0x0;
	lr =	simm.s32 $0x1  }
0x2: {  	[smem:$0x3F98] =	sst lr;
	_ =	strace $0xD0000000  }
0x3: {  	_ = 	snop  }
0x4: {  	_ = 	snop  }
0x5: {  	_ = 	snop  }
0x6: {  	_ = 	snop  }
0x7: {  	_ = 	snop  }
__scs_overlays_trampoline_lowered:
0x8: {  	[smem:$0x3FA7] =	sst s0  }
0x9: {  	[smem:$0x3FA8] =	sst s1  }
0xa: {  	[smem:$0x3FA9] =	sst s2  }
0xb: {  	[smem:$0x3FAA] =	sst s3  }
0xc: {  	[smem:$0x3FAB] =	sst s4  }
0xd: {  	[smem:$0x3FAC] =	sst s5  }
0xe: {  	[smem:$0x3FAD] =	sst s6  }
0xf: {  	[smem:$0x3FAE] =	sst s7  }
0x10: {  	[smem:$0x3FAF] =	sst s8  }
0x11: {  	[smem:$0x3FB0] =	sst s9;
	s0 =	simm.s32 @!p0 $0x0  }
0x12: {  	s1 =	sld [smem:$0x3F96];
	s0 =	simm.s32 @p0 $0x1  }
0x13: {  	[smem:$0x3FB1] =	sst s0;
	s0 =	simm.s32 @!p1 $0x0  }
0x14: {  	s2 =	sld [smem:$0x3F95];
	s0 =	simm.s32 @p1 $0x1  }
0x15: {  	[smem:$0x3FB2] =	sst s0;
	s0 =	simm.s32 @!p2 $0x0  }
0x16: {  	s3 =	sld [smem:$0x3FDB];
	s0 =	simm.s32 @p2 $0x1  }
0x17: {  	s4 =	simm.s32 $0x1BF5;
	[smem:$0x3FB4] =	sst s0  }
0x18: {  	s0 =	sld [smem:$0x3F97];
	_ =	swait.ge [sflag:s4], $0x0  }
0x19: {  	s7 =	sld [smem:$0x3F98]  }
0x1a: {  	s8 =	sadd.s32 $0xFFFFE003, lr  }
0x1b: {  	s9 =	sadd.s32 $0xFFFFFEF7, lr;
	s5 =	simm.s32 $0xFFFFFFFF;
	p2 =	slt.u32 s8, $0xFFFFF086  }
0x1c: {  	p1 =	slt.u32 s9, $0xF7A;
	s5 =	simm.s32 @!p2 $0x0  }
0x1d: {  	s5 =	simm.s32 @p1 $0x1;
	p0 =	seq.s32 s7, s2  }
0x1e: {  	s7 =	smul.u32 @!p0 $0xF7A, s2;
	p2 =	seq.s32 @!p0 s5, $0x0  }
0x1f: {  	s9 =	smul.u32 $0xF7A, s1;
	s8 =	simm.s32 @!p0 $0x1BF5;
	p2 =	por !p2, p0  }
0x20: {  	[sflag:s8] =	ssyncset.s32 @!p0 $0xFFFFF086;
	s6 =	sadd.s32 @!p0 s3, s7;
	s7 =	simm.s32 @!p0 $0x108  }
0x21: {  	s3 =	sadd.s32 s3, s9;
	s6 =	sadd.s32 @!p0 $0x88, s6;
	s7 =	simm.s32 @p2 $0x1082  }
0x22: {  	[simem:s7], [sflag:s8] =	dma.local @!p0 [hbm:s6], $0xF7A  }
0x23: {  	s9 =	sor.u32 $0xD0000000, s2;
	s6 =	simm.s32 $0x108;
	_ =	swait.ge @!p0 [sflag:s8], $0x0  }
0x24: {  	s3 =	sadd.s32 $0x88, s3;
	s6 =	simm.s32 @!p1 $0x1082;
	[sflag:s4] =	ssyncset.s32 $0xFFFFF086  }
0x25: {  	[simem:s6], [sflag:s4] =	dma.local [hbm:s3], $0xF7A  }
0x26: {  	[smem:$0x3F98] =	sst s1;
	(tag) =	ssettag s2;
	_ =	strace s9  }
0x27: {  	s1 =	sld [smem:$0x3FA8]  }
0x28: {  	s2 =	sld [smem:$0x3FA9]  }
0x29: {  	s4 =	sld [smem:$0x3FAB]  }
0x2a: {  	p0 =	seq.s32 s5, $0x0;
	s5 =	sld [smem:$0x3FAC]  }
0x2b: {  	s6 =	sld [smem:$0x3FAD]  }
0x2c: {  	s7 =	sld [smem:$0x3FAE]  }
0x2d: {  	s3 =	simm.s32 $0x108;
	s8 =	sld [smem:$0x3FAF]  }
0x2e: {  	s3 =	simm.s32 @!p0 $0x1082;
	s9 =	sld [smem:$0x3FB0]  }
0x2f: {  	lr =	sadd.s32 s0, s3;
	s0 =	sld [smem:$0x3FA7]  }
0x30: {  	s3 =	sld [smem:$0x3FAA]  }
0x31: {  	[smem:$0x3FB3] =	sst s10  }
0x32: {  	s10 =	sld [smem:$0x3FB1];
	_ =	sdelay $0x3  }
0x33: {  	p0 =	seq.s32 s10, $0x1;
	s10 =	sld [smem:$0x3FB3];
	_ =	sdelay $0x3  }
0x34: {  	[smem:$0x3FB3] =	sst s10  }
0x35: {  	s10 =	sld [smem:$0x3FB2];
	_ =	sdelay $0x3  }
0x36: {  	p1 =	seq.s32 s10, $0x1;
	s10 =	sld [smem:$0x3FB3];
	_ =	sdelay $0x3  }
0x37: {  	[smem:$0x3FB3] =	sst s10  }
0x38: {  	s10 =	sld [smem:$0x3FB4]  }
0x39: {  	_ = 	snop;
	(pc) =	sbr.ind lr, $3  }
0x3a: {  	_ = 	snop  }
0x3b: {  	_ = 	snop  }
0x3c: {  	p2 =	seq.s32 s10, $0x1;
	s10 =	sld [smem:$0x3FB3]  }
0x3d: {  	_ =	shalt  }
0x3e: {  	_ =	shalt  }
0x3f: {  	_ =	shalt  }
0x40: {  	_ =	shalt  }
0x41: {  	_ =	shalt  }
0x42: {  	_ =	shalt  }
0x43: {  	_ =	shalt  }
0x44: {  	_ =	shalt  }
0x45: {  	_ =	shalt  }
0x46: {  	_ =	shalt  }
0x47: {  	_ =	shalt  }
0x48: {  	_ =	shalt  }
0x49: {  	_ =	shalt  }
0x4a: {  	_ =	shalt  }
0x4b: {  	_ =	shalt  }
0x4c: {  	_ =	shalt  }
0x4d: {  	_ =	shalt  }
0x4e: {  	_ =	shalt  }
0x4f: {  	_ =	shalt  }
0x50: {  	_ =	shalt  }
0x51: {  	_ =	shalt  }
0x52: {  	_ =	shalt  }
0x53: {  	_ =	shalt  }
0x54: {  	_ =	shalt  }
0x55: {  	_ =	shalt  }
0x56: {  	_ =	shalt  }
0x57: {  	_ =	shalt  }
0x58: {  	_ =	shalt  }
0x59: {  	_ =	shalt  }
0x5a: {  	_ =	shalt  }
0x5b: {  	_ =	shalt  }
0x5c: {  	_ =	shalt  }
0x5d: {  	_ =	shalt  }
0x5e: {  	_ =	shalt  }
0x5f: {  	_ =	shalt  }
0x60: {  	_ =	shalt  }
0x61: {  	_ =	shalt  }
0x62: {  	_ =	shalt  }
0x63: {  	_ =	shalt  }
0x64: {  	_ =	shalt  }
0x65: {  	_ =	shalt  }
0x66: {  	_ =	shalt  }
0x67: {  	_ =	shalt  }
0x68: {  	_ =	shalt  }
0x69: {  	_ =	shalt  }
0x6a: {  	_ =	shalt  }
0x6b: {  	_ =	shalt  }
0x6c: {  	_ =	shalt  }
0x6d: {  	_ =	shalt  }
0x6e: {  	_ =	shalt  }
0x6f: {  	_ =	shalt  }
0x70: {  	_ =	shalt  }
0x71: {  	_ =	shalt  }
0x72: {  	_ =	shalt  }
0x73: {  	_ =	shalt  }
0x74: {  	_ =	shalt  }
0x75: {  	_ =	shalt  }
0x76: {  	_ =	shalt  }
0x77: {  	_ =	shalt  }
0x78: {  	_ =	shalt  }
0x79: {  	_ =	shalt  }
0x7a: {  	_ =	shalt  }
0x7b: {  	_ =	shalt  }
0x7c: {  	_ =	shalt  }
0x7d: {  	_ =	shalt  }
0x7e: {  	_ =	shalt  }
0x7f: {  	_ =	shalt  }
0x80: {  	_ =	shalt  }
0x81: {  	_ =	shalt  }
0x82: {  	_ =	shalt  }
0x83: {  	_ =	shalt  }
0x84: {  	_ =	shalt  }
0x85: {  	_ =	shalt  }
0x86: {  	_ =	shalt  }
0x87: {  	_ =	shalt  }
.Lfunc_end0:
.L_simem_size_0:
called_computation_lowered:
.L_overlay_start_0:
0x88: {  	s2 =	sld [smem:$0x3FD9]  }
0x89: {  	s3 =	sld [smem:$0x3FFE];
	_ =	sdelay $0x1  }
0x8a: {  	s1 =	srdreg.scid  }
0x8b: {  	s0 =	sand.u32 $0x1, s1  }
0x8c: {  	s14 =	sshll.u32 s0, $0xA;
	s2 =	sadd.s32 s3, s2  }
0x8d: {  	s2 =	sadd.s32 s2, s14  }
0x8e: {  	[smem:$0x3FBF] =	sst s2  }
0x8f: {  	_ = 	snop  }
0x90: {  	s2 =	sld [smem:$0x3FD0];
	_ =	sdelay $0x2  }
0x91: {  	s4 =	simm.s32 $0xA;
	s5 =	simm.s32 $0x10;
	s15 =	sld [smem:$0x3FC9]  }
0x92: {  	[smem:s5], [sflag:s4] =	dma.local [hbm:s2], $0x1  }
0x93: {  	_ =	swait.eq [sflag:s4], $0x1  }
0x94: {  	[sflag:s4] =	ssyncset.done $0x0  }
0x95: {  	[sflag:s4] =	ssyncadd.s32 $0xFFFFFFFF  }
0x96: {  	s16 =	sld [smem:$0x10];
	(tm) =	ssettm $0x1  }
0x97: {  	s17 =	sld [smem:$0x3FFB];
	_ =	sdelay $0x3  }
0x98: {  	_ =	strace s17  }
0x99: {  	s4 =	sld [smem:$0x3FFC];
	_ =	sdelay $0x3  }
0x9a: {  	_ =	strace s4  }
0x9b: {  	s4 =	sld [smem:$0x3FFD];
	_ =	sdelay $0x3  }
0x9c: {  	_ =	strace s4  }
0x9d: {  	_ =	strace $0x8FFFFFFF  }
0x9e: {  	s18 =	sld [smem:$0x3FDB];
	_ =	sdelay $0x1  }
0x9f: {  	s19 =	simm.s32 $_scs_section_size  }
0xa0: {  	s6 =	simm.s32 $_size__tile_overlayer_lowered;
	s7 =	simm.s32 $_tile_overlayer_lowered  }
0xa1: {  	s22 =	simm.s32 $0x1BFF;
	s21 =	sshll.u32 s7, $0x1;
	s4 =	sadd.s32 s19, s18  }
0xa2: {  	s8 =	simm.s32 $0x0;
	s20 =	sshll.u32 s6, $0x1;
	s6 =	sadd.s32 s21, s4  }
0xa3: {  	[timem:s8], [sflag:s22] =	dma.local [hbm:s6], s20  }
0xa4: {  	_ =	swait.ge [sflag:s22], s20  }
0xa5: {  	s5 =	ssub.s32 $0x0, s20;
	[sflag:s22] =	ssyncset.done $0x0  }
0xa6: {  	[sflag:s22] =	ssyncadd.s32 s5;
	_ =	sdelay $0x1  }
0xa7: {  	s23 =	simm.s32 $0x1B8B  }
0xa8: {  	_ =	swait.ge [sflag:s23], $0x1  }
0xa9: {  	[sflag:s23] =	ssyncset.done $0x0  }
0xaa: {  	s25 =	simm.s32 $0x1B8E;
	s24 =	sld [smem:$0x3FFE];
	[sflag:s23] =	ssyncadd.s32 $0xFFFFFFFF  }
0xab: {  	s26 =	simm.s32 $execute0_lowered;
	[smem:$0x3FD2] =	sst s25  }
0xac: {  	s6 =	sshll.u32 s26, $0x1;
	_ =	strace $0x80000046;
	[dreg:$0x1] =	wrdreg $0xFFFFFFFF  }
0xad: {  	s28 =	simm.s32 $_size_execute0_lowered;
	s4 =	sadd.s32 s4, s6;
	[dreg:$0x0] =	wrdreg $0x0  }
0xae: {  	s6 =	sshll.u32 s28, $0x1;
	[dreg:$0x2] =	wrdreg s4  }
0xaf: {  	[dreg:$0x3] =	wrdreg s6  }
0xb0: {  	[dreg:$0x4] =	wrdreg $0xC0  }
0xb1: {  	_ =	task [dreg:s8], $0x5FFFF  }
0xb2: {  	[dreg:$0x1] =	wrdreg $0xFFFFFFFF  }
0xb3: {  	[dreg:$0x0] =	wrdreg $0x60  }
0xb4: {  	[dreg:$0x2] =	wrdreg s15  }
0xb5: {  	[dreg:$0x3] =	wrdreg s24  }
0xb6: {  	[dreg:$0x4] =	wrdreg s16  }
0xb7: {  	[dreg:$0x5] =	wrdreg $0xB4800  }
0xb8: {  	[dreg:$0x6] =	wrdreg $0x9  }
0xb9: {  	_ =	task.clear_ibuf [dreg:s8], $0x7FFFF;
	_ =	strace $0x90000046  }
0xba: {  	s29 =	simm.s32 $0x9;
	_ =	strace $0x80000048  }
0xbb: {  	_ =	swait.ge [sflag:s29], $0x1  }
0xbc: {  	[sflag:s29] =	ssyncadd.s32 $0xFFFFFFFF  }
0xbd: {  	_ =	strace $0x90000048  }
0xbe: {  	_ =	sfence  }
0xbf: {  	s30 =	sld [smem:$0x0];
	_ =	sdelay $0x2  }
0xc0: {  	s31 =	sshll.u32 s1, $0xD;
	s1 =	sshrl.u32 s1, $0x2  }
0xc1: {  	s3 =	sand.u32 $0x4000, s31;
	s1 =	sadd.s32 s1, s30  }
0xc2: {  	s0 =	sor.u32 s3, s0;
	s1 =	sshll.u32 s1, $0x11  }
0xc3: {  	s0 =	sor.u32 s1, s0  }
0xc4: {  	s0 =	sadd.s32 $0x8F2B, s0  }
0xc5: {  	[sflag:s0] =	ssyncadd.remote.s32 $0x1  }
0xc6: {  	_ =	sfence.sel $0xFFFF  }
0xc7: {  	[dreg:$0x0] =	wrdreg $0xFFFFFFFF;
	(pc) =	sbr.abs _section_cstart, $3  }
0xc8: {  	[dreg:$0x1] =	wrdreg $0xFFFFFFFF  }
0xc9: {  	_ =	task.clear_ibuf [dreg:s8], $0x2FFFF;
	_ =	strace $0x9FFFFFFF  }
0xca: {  	(tm) =	ssettm $0x7FFFFFFF  }
0xcb: {  	_ =	shalt  }
tec
execute0_lowered:
.L_overlay_start_1:
0x0: {  	(tag) =	ssettag $0x1  }
0x1: {  	s1 =	rddreg [dreg:$0x0]  }
0x2: {  	s6 =	rddreg [dreg:$0x1]  }
0x3: {  	s0 =	srdreg.scid;
	s8 =	rddreg [dreg:$0x2]  }
0x4: {  	s3 =	rddreg [dreg:$0x3];
	s4 =	simm.s32 $0x0;
	s16 =	simm.s32 $0x400  }
0x5: {  	s17 =	simm.s32 $0xC8;
	s18 =	simm.s32 $0x2880;
	s5 =	sand.u32 $0x1, s0  }
0x6: {  	s19 =	simm.s32 $0x2780;
	s0 =	stileid.u32;
	s10 =	smul.u32 $0x27100, s5  }
0x7: {  	s20 =	simm.s32 $0x1;
	s21 =	simm.s32 $0x0;
	s12 =	smul.u32 $0x2710, s0  }
0x8: {  	[smem:$0x7FF] =	sst s4;
	s2 =	sshll.u32 s5, $0x4;
	s13 =	smul.u32 $0x13C000, s5  }
0x9: {  	s11 =	sshll.u32 s0, $0x7;
	s25 =	smul.u32 $0x13C00, s0;
	s29 =	ssub.s32 $0x2, s5  }
0xa: {  	s30 =	smul.u32 $0x4F000, s0;
	s5 =	sadd.s32 $0x16600, s6;
	s14 =	sshll.u32 s0, $0x6  }
0xb: {  	s7 =	sor.u32 s0, s2;
	s11 =	sand.u32 $0x380, s11;
	s31 =	sshrl.u32 s29, $0x1  }
0xc: {  	s2 =	sshrl.u32 s7, $0x3;
	s10 =	sadd.s32 s12, s10;
	s15 =	smul.u32 $0x500, s7  }
0xd: {  	s28 =	sadd.s32 s25, s13;
	s13 =	sshrl.u32 s30, $0x2;
	s9 =	smul.u32 $0x13C00, s2  }
0xe: {  	s2 =	rddreg [dreg:$0x4];
	_ =	strace $0x80000047;
	s10 =	sshrl.u32 s10, $0x3  }
0xf: {  	s13 =	sadd.s32 s13, s3;
	s26 =	sadd.s32 s10, s6;
	s10 =	sshrl.u32 s28, $0x3  }
0x10: {  	s8 =	sadd.s32 s8, s15;
	s12 =	sshrl.u32 s13, $0x3;
	s9 =	sor.u32 s11, s9  }
0x11: {  	s13 =	simm.s32 $0x2;
	s15 =	simm.s32 $0x80;
	s9 =	sshrl.u32 s9, $0x3  }
0x12: {  	s10 =	sadd.s32 s10, s6;
	s11 =	ssub.s32 s29, s31;
	s9 =	sadd.s32 s9, s6  }
0x13: {  	s6 =	sor.u32 $0x1C02, s14;
	s14 =	simm.s32 $0x8C80;
	s7 =	sadd.s32 $0xC800, s9  }
0x14: {  	vm0 =	vcmask $0x3F20;
	s9 =	sadd.s32 $0x18E00, s10;
	s10 =	smax.u32 s11, $0x1;
	s11 =	sadd.s32 $0x2A00, s26  }
.LBB2_1:
0x15: {  	[spmem:s12], [sflag:s6] =	dma.local [hbm:s5], $0x2780  }
0x16: {  	_ =	swait.ge [sflag:s13], $0x2780  }
0x17: {  	[sflag:s13] =	ssyncset.done $0x0  }
0x18: {  	[sflag:s13] =	ssyncadd.s32 $0xFFFFD880  }
0x19: {  	[tilespmem:s14], [sflag:$0x2] =	stream.linear.gather [hbm4b:s5+s4], $0x2800, $0x38;
	[tilespmem:$0x1F080] =	vst v63  }
0x1a: {  	_ =	swait.ge [sflag:s13], $0x2800  }
0x1b: {  	[sflag:s13] =	ssyncset.done $0x0  }
0x1c: {  	[sflag:s13] =	ssyncadd.s32 $0xFFFFD800  }
0x1d: {  	[tilespmem:s4], [sflag:$0x2] =	stream.strided.gather [hbm4b:s7+s15], $0x2780, s16, s15, $0x38;
	[tilespmem:$0x1F080] =	vst v63  }
0x1e: {  	_ =	swait.ge [sflag:s13], $0x2780  }
0x1f: {  	[sflag:s13] =	ssyncset.done $0x0  }
0x20: {  	[sflag:s13] =	ssyncadd.s32 $0xFFFFD880  }
0x21: {  	s22 =	simm.s32 $0x0;
	s23 =	simm.s32 $0x0;
	[bflag:$0x0] =	sbarrier.arrive $0xFFFF  }
.LBB2_2:
0x22: {  	[tilespmem:s18], [sflag:$0x1] =	stream.indirect.gather [hbm4b:s1+s17], $0x80, s22, s17, $0xb8;
	[tilespmem:$0x1F080] =	vst v63  }
0x23: {  	s24 =	sadd.s32 s23, s11  }
0x24: {  	[tilespmem:s19], [sflag:$0x2] =	stream.linear.gather [hbm4b:s24+s4], $0xC8, $0x38;
	[tilespmem:$0x1F080] =	vst v63  }
0x25: {  	_ =	swait.ge [sflag:s13], $0xC8  }
0x26: {  	[sflag:s13] =	ssyncset.done $0x0  }
0x27: {  	[sflag:s13] =	ssyncadd.s32 $0xFFFFFF38  }
0x28: {  	v0 =	vld [tilespmem:$0x2780];
	_ =	sdelay $0x4  }
0x29: {  	(xrf1) =	vunique.msk.u32 $0xffff, v0;
	_ =	sdelay $0xd  }
0x2a: {  	_, v1, vm1 =	vpop (xrf1);
	_ =	sdelay $0x3  }
0x2b: {  	v1 =	vcvt.s32.f32 v1;
	_ =	sdelay $0x1  }
0x2c: {  	[tilespmem:v0+s14+$0x0] =	vst.idx.add.f32.msk vm1, v1  }
0x2d: {  	v0 =	vld [tilespmem:$0x2790];
	_ =	sdelay $0x4  }
0x2e: {  	(xrf1) =	vunique.msk.u32 $0xffff, v0;
	_ =	sdelay $0xd  }
0x2f: {  	_, v1, vm1 =	vpop (xrf1);
	_ =	sdelay $0x3  }
0x30: {  	v1 =	vcvt.s32.f32 v1;
	_ =	sdelay $0x1  }
0x31: {  	[tilespmem:v0+s14+$0x0] =	vst.idx.add.f32.msk vm1, v1  }
0x32: {  	v0 =	vld [tilespmem:$0x27A0];
	_ =	sdelay $0x4  }
0x33: {  	(xrf1) =	vunique.msk.u32 $0xffff, v0;
	_ =	sdelay $0xd  }
0x34: {  	_, v1, vm1 =	vpop (xrf1);
	_ =	sdelay $0x3  }
0x35: {  	v1 =	vcvt.s32.f32 v1;
	_ =	sdelay $0x1  }
0x36: {  	[tilespmem:v0+s14+$0x0] =	vst.idx.add.f32.msk vm1, v1  }
0x37: {  	v0 =	vld [tilespmem:$0x27B0];
	_ =	sdelay $0x4  }
0x38: {  	(xrf1) =	vunique.msk.u32 $0xffff, v0;
	_ =	sdelay $0xd  }
0x39: {  	_, v1, vm1 =	vpop (xrf1);
	_ =	sdelay $0x3  }
0x3a: {  	v1 =	vcvt.s32.f32 v1;
	_ =	sdelay $0x1  }
0x3b: {  	[tilespmem:v0+s14+$0x0] =	vst.idx.add.f32.msk vm1, v1  }
0x3c: {  	v0 =	vld [tilespmem:$0x27C0];
	_ =	sdelay $0x4  }
0x3d: {  	(xrf1) =	vunique.msk.u32 $0xffff, v0;
	_ =	sdelay $0xd  }
0x3e: {  	_, v1, vm1 =	vpop (xrf1);
	_ =	sdelay $0x3  }
0x3f: {  	v1 =	vcvt.s32.f32 v1;
	_ =	sdelay $0x1  }
0x40: {  	[tilespmem:v0+s14+$0x0] =	vst.idx.add.f32.msk vm1, v1  }
0x41: {  	v0 =	vld [tilespmem:$0x27D0];
	_ =	sdelay $0x4  }
0x42: {  	(xrf1) =	vunique.msk.u32 $0xffff, v0;
	_ =	sdelay $0xd  }
0x43: {  	_, v1, vm1 =	vpop (xrf1);
	_ =	sdelay $0x3  }
0x44: {  	v1 =	vcvt.s32.f32 v1;
	_ =	sdelay $0x1  }
0x45: {  	[tilespmem:v0+s14+$0x0] =	vst.idx.add.f32.msk vm1, v1  }
0x46: {  	v0 =	vld [tilespmem:$0x27E0];
	_ =	sdelay $0x4  }
0x47: {  	(xrf1) =	vunique.msk.u32 $0xffff, v0;
	_ =	sdelay $0xd  }
0x48: {  	_, v1, vm1 =	vpop (xrf1);
	_ =	sdelay $0x3  }
0x49: {  	v1 =	vcvt.s32.f32 v1;
	_ =	sdelay $0x1  }
0x4a: {  	[tilespmem:v0+s14+$0x0] =	vst.idx.add.f32.msk vm1, v1  }
0x4b: {  	v0 =	vld [tilespmem:$0x27F0];
	_ =	sdelay $0x4  }
0x4c: {  	(xrf1) =	vunique.msk.u32 $0xffff, v0;
	_ =	sdelay $0xd  }
0x4d: {  	_, v1, vm1 =	vpop (xrf1);
	_ =	sdelay $0x3  }
0x4e: {  	v1 =	vcvt.s32.f32 v1;
	_ =	sdelay $0x1  }
0x4f: {  	[tilespmem:v0+s14+$0x0] =	vst.idx.add.f32.msk vm1, v1  }
0x50: {  	v0 =	vld [tilespmem:$0x2800];
	_ =	sdelay $0x4  }
0x51: {  	(xrf1) =	vunique.msk.u32 $0xffff, v0;
	_ =	sdelay $0xd  }
0x52: {  	_, v1, vm1 =	vpop (xrf1);
	_ =	sdelay $0x3  }
0x53: {  	v1 =	vcvt.s32.f32 v1;
	_ =	sdelay $0x1  }
0x54: {  	[tilespmem:v0+s14+$0x0] =	vst.idx.add.f32.msk vm1, v1  }
0x55: {  	v0 =	vld [tilespmem:$0x2810];
	_ =	sdelay $0x4  }
0x56: {  	(xrf1) =	vunique.msk.u32 $0xffff, v0;
	_ =	sdelay $0xd  }
0x57: {  	_, v1, vm1 =	vpop (xrf1);
	_ =	sdelay $0x3  }
0x58: {  	v1 =	vcvt.s32.f32 v1;
	_ =	sdelay $0x1  }
0x59: {  	[tilespmem:v0+s14+$0x0] =	vst.idx.add.f32.msk vm1, v1  }
0x5a: {  	v0 =	vld [tilespmem:$0x2820];
	_ =	sdelay $0x4  }
0x5b: {  	(xrf1) =	vunique.msk.u32 $0xffff, v0;
	_ =	sdelay $0xd  }
0x5c: {  	_, v1, vm1 =	vpop (xrf1);
	_ =	sdelay $0x3  }
0x5d: {  	v1 =	vcvt.s32.f32 v1;
	_ =	sdelay $0x1  }
0x5e: {  	[tilespmem:v0+s14+$0x0] =	vst.idx.add.f32.msk vm1, v1  }
0x5f: {  	v0 =	vld [tilespmem:$0x2830];
	_ =	sdelay $0x4  }
0x60: {  	(xrf1) =	vunique.msk.u32 $0xffff, v0;
	_ =	sdelay $0xd  }
0x61: {  	_, v1, vm1 =	vpop (xrf1);
	_ =	sdelay $0x3  }
0x62: {  	v1 =	vcvt.s32.f32 v1;
	_ =	sdelay $0x1  }
0x63: {  	[tilespmem:v0+s14+$0x0] =	vst.idx.add.f32.msk vm1, v1  }
0x64: {  	v0 =	vld [tilespmem:$0x2838];
	_ =	sdelay $0x4  }
0x65: {  	(xrf1) =	vunique.msk.u32 vm0, v0;
	_ =	sdelay $0xd  }
0x66: {  	_, v1, vm1 =	vpop (xrf1)  }
0x67: {  	vm1 =	vmand vm1, vm0;
	_ =	sdelay $0x3  }
0x68: {  	v1 =	vcvt.s32.f32 v1;
	_ =	sdelay $0x1  }
0x69: {  	[tilespmem:v0+s14+$0x0] =	vst.idx.add.f32.msk vm1, v1  }
0x6a: {  	_ =	swait.ge [sflag:s20], $0x6400  }
0x6b: {  	p0 =	sne.s32 s23, $0x4C9;
	[sflag:s20] =	ssyncset.done $0x0  }
.Ltmp0:
0x6c: {  	[sflag:s20] =	ssyncadd.s32 $0xFFFF9C00;
	(pc) =	sbr.rel @p0 .LBB2_2-.Ltmp0, $4  }
0x6d: {  	[spmem:s3] =	stream.indirect.scatter.add.f32 [tilespmem:s18], [sflag:$0x2], $0x80, s19, s17, $0xb8;
	[tilespmem:$0x1F080] =	vst v63  }
0x6e: {  	_ =	swait.ge [sflag:s13], $0x6400  }
0x6f: {  	[sflag:s13] =	ssyncset.done $0x0  }
0x70: {  	s22 =	sadd.s32 $0xC8, s22;
	s23 =	sadd.s32 $0x19, s23;
	[sflag:s13] =	ssyncadd.s32 $0xFFFF9C00  }
0x71: {  	[hbm4b:s8+s4] =	stream.linear.scatter [tilespmem:s14], [sflag:$0x2], $0x2800, $0x38;
	[tilespmem:$0x1F080] =	vst v63  }
0x72: {  	_ =	swait.ge [sflag:s13], $0x2800  }
0x73: {  	s21 =	sadd.s32 $0x1, s21;
	[sflag:s13] =	ssyncset.done $0x0  }
0x74: {  	p0 =	sne.s32 s21, s10;
	[sflag:s13] =	ssyncadd.s32 $0xFFFFD800  }
.Ltmp1:
0x75: {  	[bflag:$0x0] =	sbarrier.arrive $0xFFFF;
	(pc) =	sbr.rel @p0 .LBB2_1-.Ltmp1, $4  }
0x76: {  	[hbm:s9], [sflag:s6] =	dma.local [spmem:s12], $0x2780  }
0x77: {  	_ =	swait.ge [sflag:s13], $0x2780  }
0x78: {  	[sflag:s13] =	ssyncset.done $0x0  }
0x79: {  	[sflag:s13] =	ssyncadd.s32 $0xFFFFD880  }
0x7a: {  	_ =	sfence.sel $0x180000  }
0x7b: {  	[bflag:$0x0] =	sbarrier.arrive $0xFFFF  }
0x7c: {  	p0 =	sne.s32 s0, $0x0;
	_ =	strace $0x90000047  }
0x7d: {  	s0 =	sadd.s32 @!p0 $0x100000, s2;
	[bflag:$0x2] =	sbarrier.arrive $0xFFFF  }
0x7e: {  	[sflag:s0] =	ssyncadd.tile.s32 @!p0 $0x1;
	_ =	shalt  }
.Lfunc_end2:
_tile_overlayer_lowered:
.L_overlay_start_2:
0x7f: {  	(tag) =	ssettag $0x2  }
0x80: {  	s0 =	rddreg [dreg:$0x0];
	s2 =	stileid.u32  }
0x81: {  	s1 =	rddreg [dreg:$0x1];
	p0 =	sne.s32 s2, $0x0  }
0x82: {  	s3 =	rddreg [dreg:$0x2];
	[bflag:$0x3] =	sbarrier.arrive $0xFFFF;
	s2 =	simm.s32 @!p0 $0x1C02  }
0x83: {  	[timem:s3], [sflag:s2] =	dma.local @!p0 [hbm:s0], s1  }
0x84: {  	s0 =	simm.s32 @!p0 $0x2  }
0x85: {  	_ =	swait.ge @!p0 [sflag:s0], s1  }
0x86: {  	s1 =	ssub.s32 @!p0 $0x0, s1;
	[sflag:s0] =	ssyncset.done @!p0 $0x0  }
0x87: {  	[sflag:s0] =	ssyncadd.s32 @!p0 s1  }
0x88: {  	[bflag:$0x3] =	sbarrier.arrive $0xFFFF  }
0x89: {  	_ =	shalt  }

</sc_bundles>
